<compile_context>
chip_gen: v7x
topology: tpu7x:2x2x1
jax: 0.10.2.dev20260603
libtpu: 0.0.44.dev20260713+nightly
codegen_flags: <defaults>
</compile_context>

<pallas_src>
import functools

import jax
import jax.numpy as jnp
from jax import lax
from jax.experimental import pallas as pl
from jax.experimental.pallas import tpu as pltpu
from jax.experimental.pallas import tpu_sc as plsc

B = 1024
L = 200
D = 1024
SUB = 2
NTOK = L // SUB
NCG = 4
NBW = 8
CW = D // NCG
BB = 64
NBB = B // BB
TB = 50
LANES = 16
VPT = CW // LANES


def _body(idx_hbm, table_hbm, out_hbm,
          idx_v, rows0, rows1, out0, out1, sg0, sg1, so0, so1):
    wid = lax.axis_index("s") * 2 + lax.axis_index("c")
    gc = wid % NCG
    bw = wid // NCG
    col = pl.multiple_of(gc * CW, CW)
    rows = (rows0, rows1)
    outs = (out0, out1)
    sgs = (sg0, sg1)
    sos = (so0, so1)

    def start_gather(tp, par):
        for j in range(SUB):
            pltpu.async_copy(
                table_hbm.at[idx_v.at[tp, j], pl.ds(col, CW)],
                rows[par].at[pl.ds(j * BB, BB)], sgs[par])

    def wait_gather(par):
        for j in range(SUB):
            pltpu.make_async_copy(
                table_hbm.at[idx_v.at[0, 0], pl.ds(col, CW)],
                rows[par].at[pl.ds(0, BB)], sgs[par]).wait()

    def start_out(t, bb, par):
        b0 = pl.multiple_of(bb * BB, BB)
        pltpu.async_copy(
            outs[par], out_hbm.at[t, pl.ds(b0, BB), pl.ds(col, CW)], sos[par])

    def wait_out(par):
        pltpu.make_async_copy(
            outs[par], out_hbm.at[0, pl.ds(0, BB), pl.ds(col, CW)],
            sos[par]).wait()

    def compute(par):
        rv, ov = rows[par], outs[par]

        @plsc.parallel_loop(0, BB, unroll=2)
        def _(q):
            for j in range(VPT):
                s = pl.ds(j * LANES, LANES)
                ov[q, s] = (rv[q, s] + rv[BB + q, s]) * 0.5

    def blkstep(blk, carry):
        bb = bw * 2 + (blk >> 1)
        h = blk & 1
        pltpu.sync_copy(idx_hbm.at[bb, h], idx_v)
        start_gather(0, 0)

        def pairstep(p, c):
            for half in range(2):
                tp = 2 * p + half
                par = half
                wait_gather(par)
                if half == 0:
                    start_gather(tp + 1, 1 - par)
                else:
                    @pl.when(p < TB // 2 - 1)
                    def _():
                        start_gather(tp + 1, 1 - par)

                @pl.when((blk > 0) | (p > 0))
                def _():
                    wait_out(par)
                compute(par)
                start_out(h * TB + tp, bb, par)
            return c

        lax.fori_loop(0, TB // 2, pairstep, 0)
        return carry

    lax.fori_loop(0, 4, blkstep, 0)
    wait_out(0)
    wait_out(1)


_gather_mean = functools.partial(
    pl.kernel,
    out_type=jax.ShapeDtypeStruct((NTOK, B, D), jnp.float32),
    mesh=plsc.VectorSubcoreMesh(core_axis_name="c", subcore_axis_name="s"),
    scratch_types=[
        pltpu.VMEM((TB, SUB, BB), jnp.int32),
        pltpu.VMEM((SUB * BB, CW), jnp.float32),
        pltpu.VMEM((SUB * BB, CW), jnp.float32),
        pltpu.VMEM((BB, CW), jnp.float32),
        pltpu.VMEM((BB, CW), jnp.float32),
        pltpu.SemaphoreType.DMA,
        pltpu.SemaphoreType.DMA,
        pltpu.SemaphoreType.DMA,
        pltpu.SemaphoreType.DMA,
    ],
)(_body)


def kernel(tokens_ids, seg_ids, emb_table):
    idx = (tokens_ids.reshape(NBB, BB, NTOK, SUB)
           .transpose(0, 2, 3, 1)
           .reshape(NBB, 2, TB, SUB, BB))
    out = _gather_mean(idx, emb_table)
    return out.transpose(1, 0, 2)

# --- scband reference (transcript-rebuilt; emitter-appended) ---
"""Pipeline reference for scband-amrwordembedding-36215164240846 (READ-ONLY COPY).

The authoritative reference and input builder live on the scoring server;
editing this copy changes nothing except your own understanding.
"""

import jax, jax.numpy as jnp
import numpy as np

B = 1024        # batch of AMR graphs
L = 200         # subtokens per sample
VOCAB = 53228   # AMRBART vocab size
D = 1024        # d_model == pretrained_dim -> need_proj = False
SUB = 2         # fixed subtokens per token (uniform token_splits)
NTOK = L // SUB # tokens per sample after subtoken fusion

def setup_inputs(seed: int = 0) -> dict:
    key = jax.random.key(seed)
    k1, k2, k3 = jax.random.split(key, 3)
    tokens_ids = jax.random.randint(k1, (B, L), 0, VOCAB, dtype=jnp.int32)
    seg_ids = jax.random.randint(k2, (B, NTOK), 0, 8, dtype=jnp.int32)
    emb_table = jax.random.normal(k3, (VOCAB, D), dtype=jnp.float32) * 0.02
    return {"tokens_ids": tokens_ids, "seg_ids": seg_ids, "emb_table": emb_table}

def reference(tokens_ids, seg_ids, emb_table):
    # token_feats = self.word_embedding(tokens_ids)  -> gather from embedding table
    token_feats = jnp.take(emb_table, tokens_ids, axis=0)       # [B, L, D]
    # need_proj is False (pretrained_dim == d_model), so no FeatureResizer.
    # torch.split per token_splits + mean over subtokens; with uniform splits of
    # SUB this is a reshape + mean over the subtoken axis.
    token_feats = token_feats.reshape(B, NTOK, SUB, D).mean(axis=2)  # [B, NTOK, D]
    # pad_1d_feats is identity here (all samples have the same token count),
    # matching the assert token_feats.shape[1] == seg_ids.shape[1].
    return token_feats

if __name__ == "__main__":
    import jax
    _d = setup_inputs()
    print(jax.jit(kernel)(*tuple(_d.values())))

</pallas_src>

<mosaic_0001>
#map = affine_map<(d0, d1) -> (0, 0, 0, 0, 0)>
#map1 = affine_map<(d0, d1) -> (0, 0)>
#map2 = affine_map<(d0, d1) -> (0, 0, 0)>
module attributes {stable_mosaic.version = 14 : i64} {
  func.func @_body(%arg0: i32, %arg1: i32, %arg2: memref<16x2x50x2x64xi32, #tpu.memory_space<hbm>>, %arg3: memref<53228x1024xf32, #tpu.memory_space<hbm>>, %arg4: memref<100x1024x1024xf32, #tpu.memory_space<hbm>>, %arg5: memref<50x2x64xi32, #tpu.memory_space<vmem>>, %arg6: memref<128x256xf32, #tpu.memory_space<vmem>>, %arg7: memref<128x256xf32, #tpu.memory_space<vmem>>, %arg8: memref<64x256xf32, #tpu.memory_space<vmem>>, %arg9: memref<64x256xf32, #tpu.memory_space<vmem>>, %arg10: memref<!tpu.dma_semaphore, #tpu.memory_space<semaphore_mem>>, %arg11: memref<!tpu.dma_semaphore, #tpu.memory_space<semaphore_mem>>, %arg12: memref<!tpu.dma_semaphore, #tpu.memory_space<semaphore_mem>>, %arg13: memref<!tpu.dma_semaphore, #tpu.memory_space<semaphore_mem>>) attributes {dimension_semantics = [#tpu.dimension_semantics<core_parallel>, #tpu.dimension_semantics<subcore_parallel>], iteration_bounds = array<i64: 2, 16>, scalar_prefetch = 0 : i64, scratch_operands = 9 : i64, tpu.core_type = #tpu.core_type<sc_vector_subcore>, window_params = [{transform_indices = #map}, {transform_indices = #map1}, {transform_indices = #map2}]} {
    %mul3A = arith.constant 2 : i32
    %mul3A_0 = arith.muli %arg1, %mul3A : i32
    %add3A = arith.addi %mul3A_0, %arg0 : i32
    %jit3A = arith.constant 4 : i32
    %eq3A = arith.constant 0 : i32
    %eq3A_1 = arith.cmpi eq, %jit3A, %eq3A : i32
    %jit3A_2 = arith.constant 1 : i32
    %select_n3A = arith.select %eq3A_1, %jit3A_2, %jit3A : i32
    %rem3A = arith.remsi %add3A, %select_n3A : i32
    %ne3A = arith.constant 0 : i32
    %ne3A_3 = arith.cmpi ne, %rem3A, %ne3A : i32
    %lt3A = arith.constant 0 : i32
    %lt3A_4 = arith.cmpi slt, %rem3A, %lt3A : i32
    %lt3A_5 = arith.constant 0 : i32
    %lt3A_6 = arith.cmpi slt, %select_n3A, %lt3A_5 : i32
    %ne3A_7 = arith.xori %lt3A_4, %lt3A_6 : i1
    %and3A = arith.andi %ne3A_7, %ne3A_3 : i1
    %add3A_8 = arith.addi %rem3A, %select_n3A : i32
    %select_n3A_9 = arith.select %and3A, %add3A_8, %rem3A : i32
    %jit3A_10 = arith.constant 4 : i32
    %div3A = arith.divsi %add3A, %jit3A_10 : i32
    %sign3A = arith.constant 0 : i32
    %sign3A_11 = arith.cmpi sgt, %add3A, %sign3A : i32
    %sign3A_12 = arith.extui %sign3A_11 : i1 to i32
    %sign3A_13 = arith.constant 0 : i32
    %sign3A_14 = arith.cmpi slt, %add3A, %sign3A_13 : i32
    %sign3A_15 = arith.extui %sign3A_14 : i1 to i32
    %sign3A_16 = arith.subi %sign3A_12, %sign3A_15 : i32
    %sign3A_17 = arith.constant 0 : i32
    %sign3A_18 = arith.cmpi sgt, %jit3A_10, %sign3A_17 : i32
    %sign3A_19 = arith.extui %sign3A_18 : i1 to i32
    %sign3A_20 = arith.constant 0 : i32
    %sign3A_21 = arith.cmpi slt, %jit3A_10, %sign3A_20 : i32
    %sign3A_22 = arith.extui %sign3A_21 : i1 to i32
    %sign3A_23 = arith.subi %sign3A_19, %sign3A_22 : i32
    %ne3A_24 = arith.cmpi ne, %sign3A_16, %sign3A_23 : i32
    %rem3A_25 = arith.remsi %add3A, %jit3A_10 : i32
    %ne3A_26 = arith.constant 0 : i32
    %ne3A_27 = arith.cmpi ne, %rem3A_25, %ne3A_26 : i32
    %and3A_28 = arith.andi %ne3A_24, %ne3A_27 : i1
    %sub3A = arith.constant 1 : i32
    %sub3A_29 = arith.subi %div3A, %sub3A : i32
    %select_n3A_30 = arith.select %and3A_28, %sub3A_29, %div3A : i32
    %mul3A_31 = arith.constant 256 : i32
    %mul3A_32 = arith.muli %select_n3A_9, %mul3A_31 : i32
    %multiple_of3A = tpu.assume_multiple %mul3A_32, 256 : i32
    %scan3A = arith.constant 0 : i32
    %scan3A_33 = arith.constant 0 : i32
    %scan3A_34 = arith.constant 4 : i32
    %scan3A_35 = arith.addi %scan3A_33, %scan3A_34 : i32
    %scan3A_36 = arith.constant 1 : i32
    scf.for %scan3A_51 = %scan3A_33 to %scan3A_35 step %scan3A_36  : i32 {
      %mul3A_52 = arith.constant 2 : i32
      %mul3A_53 = arith.muli %select_n3A_30, %mul3A_52 : i32
      %shift_right_arithmetic3A = arith.constant 1 : i32
      %shift_right_arithmetic3A_54 = arith.shrsi %scan3A_51, %shift_right_arithmetic3A : i32
      %add3A_55 = arith.addi %mul3A_53, %shift_right_arithmetic3A_54 : i32
      %and3A_56 = arith.constant 1 : i32
      %and3A_57 = arith.andi %scan3A_51, %and3A_56 : i32
      "tpu.region"() ({
        %run_scoped3A = tpu.sem_alloc : memref<!tpu.dma_semaphore, #tpu.memory_space<semaphore_mem>>
        %dma_start3A_83 = arith.constant 0 : i32
        %dma_start3A_84 = arith.constant 0 : i32
        %dma_start3A_85 = arith.constant 0 : i32
        %dma_start3A_86 = tpu.memref_slice %arg2[%add3A_55, %and3A_57, %dma_start3A_83, %dma_start3A_84, %dma_start3A_85] : memref<16x2x50x2x64xi32, #tpu.memory_space<hbm>> -> memref<1x1x50x2x64xi32, #tpu.memory_space<hbm>>
        %dma_start3A_87 = tpu.memref_squeeze %dma_start3A_86 : memref<1x1x50x2x64xi32, #tpu.memory_space<hbm>> -> memref<50x2x64xi32, #tpu.memory_space<hbm>>
        %dma_start3A_88 = arith.constant 0 : i32
        %dma_start3A_89 = arith.constant 0 : i32
        %dma_start3A_90 = arith.constant 0 : i32
        %dma_start3A_91 = tpu.memref_slice %arg2[%add3A_55, %and3A_57, %dma_start3A_88, %dma_start3A_89, %dma_start3A_90] : memref<16x2x50x2x64xi32, #tpu.memory_space<hbm>> -> memref<1x1x50x2x64xi32, #tpu.memory_space<hbm>>
        %dma_start3A_92 = tpu.memref_squeeze %dma_start3A_91 : memref<1x1x50x2x64xi32, #tpu.memory_space<hbm>> -> memref<50x2x64xi32, #tpu.memory_space<hbm>>
        tpu.enqueue_dma source(%dma_start3A_92 : memref<50x2x64xi32, #tpu.memory_space<hbm>>) target(%arg5 : memref<50x2x64xi32, #tpu.memory_space<vmem>>) target_semaphore(%run_scoped3A : memref<!tpu.dma_semaphore, #tpu.memory_space<semaphore_mem>>)
        %dma_wait3A_93 = arith.constant 0 : i32
        %dma_wait3A_94 = arith.constant 0 : i32
        %dma_wait3A_95 = arith.constant 0 : i32
        %dma_wait3A_96 = tpu.memref_slice %arg2[%add3A_55, %and3A_57, %dma_wait3A_93, %dma_wait3A_94, %dma_wait3A_95] : memref<16x2x50x2x64xi32, #tpu.memory_space<hbm>> -> memref<1x1x50x2x64xi32, #tpu.memory_space<hbm>>
        %dma_wait3A_97 = tpu.memref_squeeze %dma_wait3A_96 : memref<1x1x50x2x64xi32, #tpu.memory_space<hbm>> -> memref<50x2x64xi32, #tpu.memory_space<hbm>>
        %dma_wait3A_98 = arith.constant 0 : i32
        %dma_wait3A_99 = arith.constant 0 : i32
        %dma_wait3A_100 = arith.constant 0 : i32
        %dma_wait3A_101 = tpu.memref_slice %arg2[%add3A_55, %and3A_57, %dma_wait3A_98, %dma_wait3A_99, %dma_wait3A_100] : memref<16x2x50x2x64xi32, #tpu.memory_space<hbm>> -> memref<1x1x50x2x64xi32, #tpu.memory_space<hbm>>
        %dma_wait3A_102 = tpu.memref_squeeze %dma_wait3A_101 : memref<1x1x50x2x64xi32, #tpu.memory_space<hbm>> -> memref<50x2x64xi32, #tpu.memory_space<hbm>>
        tpu.wait_dma2 semaphore(%run_scoped3A : memref<!tpu.dma_semaphore, #tpu.memory_space<semaphore_mem>>) src(%dma_wait3A_102 : memref<50x2x64xi32, #tpu.memory_space<hbm>>) dst(%arg5 : memref<50x2x64xi32, #tpu.memory_space<vmem>>)
        tpu.yield
      }) : () -> ()
      %dma_start3A = arith.constant 0 : i32
      %dma_start3A_58 = arith.constant 0 : i32
      %dma_start3A_59 = arith.constant 0 : i32
      %dma_start3A_60 = arith.constant 0 : i32
      %dma_start3A_61 = tpu.memref_slice %arg6[%dma_start3A_59, %dma_start3A_60] : memref<128x256xf32, #tpu.memory_space<vmem>> -> memref<64x256xf32, #tpu.memory_space<vmem>>
      %dma_start3A_62 = arith.constant 0 : i32
      %dma_start3A_63 = tpu.memref_slice %arg5[%dma_start3A, %dma_start3A_58, %dma_start3A_62] : memref<50x2x64xi32, #tpu.memory_space<vmem>> -> memref<1x1x64xi32, #tpu.memory_space<vmem>>
      %dma_start3A_64 = tpu.memref_squeeze %dma_start3A_63 : memref<1x1x64xi32, #tpu.memory_space<vmem>> -> memref<64xi32, #tpu.memory_space<vmem>>
      %dma_start3A_65 = arith.constant 0 : i32
      %dma_start3A_66 = tpu.memref_slice %arg3[%dma_start3A_65, %multiple_of3A] : memref<53228x1024xf32, #tpu.memory_space<hbm>> -> memref<53228x256xf32, #tpu.memory_space<hbm>>
      tpu.enqueue_indirect_dma source(%dma_start3A_66 : memref<53228x256xf32, #tpu.memory_space<hbm>>) target(%dma_start3A_61 : memref<64x256xf32, #tpu.memory_space<vmem>>) offsets(%dma_start3A_64 : memref<64xi32, #tpu.memory_space<vmem>>) semaphore(%arg10 : memref<!tpu.dma_semaphore, #tpu.memory_space<semaphore_mem>>)
      %dma_start3A_67 = arith.constant 0 : i32
      %dma_start3A_68 = arith.constant 1 : i32
      %dma_start3A_69 = arith.constant 64 : i32
      %dma_start3A_70 = arith.constant 0 : i32
      %dma_start3A_71 = tpu.memref_slice %arg6[%dma_start3A_69, %dma_start3A_70] : memref<128x256xf32, #tpu.memory_space<vmem>> -> memref<64x256xf32, #tpu.memory_space<vmem>>
      %dma_start3A_72 = arith.constant 0 : i32
      %dma_start3A_73 = tpu.memref_slice %arg5[%dma_start3A_67, %dma_start3A_68, %dma_start3A_72] : memref<50x2x64xi32, #tpu.memory_space<vmem>> -> memref<1x1x64xi32, #tpu.memory_space<vmem>>
      %dma_start3A_74 = tpu.memref_squeeze %dma_start3A_73 : memref<1x1x64xi32, #tpu.memory_space<vmem>> -> memref<64xi32, #tpu.memory_space<vmem>>
      %dma_start3A_75 = arith.constant 0 : i32
      %dma_start3A_76 = tpu.memref_slice %arg3[%dma_start3A_75, %multiple_of3A] : memref<53228x1024xf32, #tpu.memory_space<hbm>> -> memref<53228x256xf32, #tpu.memory_space<hbm>>
      tpu.enqueue_indirect_dma source(%dma_start3A_76 : memref<53228x256xf32, #tpu.memory_space<hbm>>) target(%dma_start3A_71 : memref<64x256xf32, #tpu.memory_space<vmem>>) offsets(%dma_start3A_74 : memref<64xi32, #tpu.memory_space<vmem>>) semaphore(%arg10 : memref<!tpu.dma_semaphore, #tpu.memory_space<semaphore_mem>>)
      %scan3A_77 = arith.constant 0 : i32
      %scan3A_78 = arith.constant 0 : i32
      %scan3A_79 = arith.constant 25 : i32
      %scan3A_80 = arith.addi %scan3A_78, %scan3A_79 : i32
      %scan3A_81 = arith.constant 1 : i32
      scf.for %scan3A_83 = %scan3A_78 to %scan3A_80 step %scan3A_81  : i32 {
        %mul3A_84 = arith.constant 2 : i32
        %mul3A_85 = arith.muli %mul3A_84, %scan3A_83 : i32
        %add3A_86 = arith.constant 0 : i32
        %add3A_87 = arith.addi %mul3A_85, %add3A_86 : i32
        %dma_wait3A_88 = arith.constant 0 : i32
        %dma_wait3A_89 = arith.constant 0 : i32
        %dma_wait3A_90 = arith.constant 0 : i32
        %dma_wait3A_91 = arith.constant 0 : i32
        %dma_wait3A_92 = tpu.memref_slice %arg6[%dma_wait3A_90, %dma_wait3A_91] : memref<128x256xf32, #tpu.memory_space<vmem>> -> memref<64x256xf32, #tpu.memory_space<vmem>>
        %dma_wait3A_93 = arith.constant 0 : i32
        %dma_wait3A_94 = tpu.memref_slice %arg5[%dma_wait3A_88, %dma_wait3A_89, %dma_wait3A_93] : memref<50x2x64xi32, #tpu.memory_space<vmem>> -> memref<1x1x64xi32, #tpu.memory_space<vmem>>
        %dma_wait3A_95 = tpu.memref_squeeze %dma_wait3A_94 : memref<1x1x64xi32, #tpu.memory_space<vmem>> -> memref<64xi32, #tpu.memory_space<vmem>>
        %dma_wait3A_96 = arith.constant 0 : i32
        %dma_wait3A_97 = tpu.memref_slice %arg3[%dma_wait3A_96, %multiple_of3A] : memref<53228x1024xf32, #tpu.memory_space<hbm>> -> memref<53228x256xf32, #tpu.memory_space<hbm>>
        tpu.wait_indirect_dma semaphore(%arg10 : memref<!tpu.dma_semaphore, #tpu.memory_space<semaphore_mem>>) src(%dma_wait3A_97 : memref<53228x256xf32, #tpu.memory_space<hbm>>) dst(%dma_wait3A_92 : memref<64x256xf32, #tpu.memory_space<vmem>>)
        %dma_wait3A_98 = arith.constant 0 : i32
        %dma_wait3A_99 = arith.constant 0 : i32
        %dma_wait3A_100 = arith.constant 0 : i32
        %dma_wait3A_101 = arith.constant 0 : i32
        %dma_wait3A_102 = tpu.memref_slice %arg6[%dma_wait3A_100, %dma_wait3A_101] : memref<128x256xf32, #tpu.memory_space<vmem>> -> memref<64x256xf32, #tpu.memory_space<vmem>>
        %dma_wait3A_103 = arith.constant 0 : i32
        %dma_wait3A_104 = tpu.memref_slice %arg5[%dma_wait3A_98, %dma_wait3A_99, %dma_wait3A_103] : memref<50x2x64xi32, #tpu.memory_space<vmem>> -> memref<1x1x64xi32, #tpu.memory_space<vmem>>
        %dma_wait3A_105 = tpu.memref_squeeze %dma_wait3A_104 : memref<1x1x64xi32, #tpu.memory_space<vmem>> -> memref<64xi32, #tpu.memory_space<vmem>>
        %dma_wait3A_106 = arith.constant 0 : i32
        %dma_wait3A_107 = tpu.memref_slice %arg3[%dma_wait3A_106, %multiple_of3A] : memref<53228x1024xf32, #tpu.memory_space<hbm>> -> memref<53228x256xf32, #tpu.memory_space<hbm>>
        tpu.wait_indirect_dma semaphore(%arg10 : memref<!tpu.dma_semaphore, #tpu.memory_space<semaphore_mem>>) src(%dma_wait3A_107 : memref<53228x256xf32, #tpu.memory_space<hbm>>) dst(%dma_wait3A_102 : memref<64x256xf32, #tpu.memory_space<vmem>>)
        %add3A_108 = arith.constant 1 : i32
        %add3A_109 = arith.addi %add3A_87, %add3A_108 : i32
        %dma_start3A_110 = arith.constant 0 : i32
        %dma_start3A_111 = arith.constant 0 : i32
        %dma_start3A_112 = arith.constant 0 : i32
        %dma_start3A_113 = tpu.memref_slice %arg7[%dma_start3A_111, %dma_start3A_112] : memref<128x256xf32, #tpu.memory_space<vmem>> -> memref<64x256xf32, #tpu.memory_space<vmem>>
        %dma_start3A_114 = arith.constant 0 : i32
        %dma_start3A_115 = tpu.memref_slice %arg5[%add3A_109, %dma_start3A_110, %dma_start3A_114] : memref<50x2x64xi32, #tpu.memory_space<vmem>> -> memref<1x1x64xi32, #tpu.memory_space<vmem>>
        %dma_start3A_116 = tpu.memref_squeeze %dma_start3A_115 : memref<1x1x64xi32, #tpu.memory_space<vmem>> -> memref<64xi32, #tpu.memory_space<vmem>>
        %dma_start3A_117 = arith.constant 0 : i32
        %dma_start3A_118 = tpu.memref_slice %arg3[%dma_start3A_117, %multiple_of3A] : memref<53228x1024xf32, #tpu.memory_space<hbm>> -> memref<53228x256xf32, #tpu.memory_space<hbm>>
        tpu.enqueue_indirect_dma source(%dma_start3A_118 : memref<53228x256xf32, #tpu.memory_space<hbm>>) target(%dma_start3A_113 : memref<64x256xf32, #tpu.memory_space<vmem>>) offsets(%dma_start3A_116 : memref<64xi32, #tpu.memory_space<vmem>>) semaphore(%arg11 : memref<!tpu.dma_semaphore, #tpu.memory_space<semaphore_mem>>)
        %dma_start3A_119 = arith.constant 1 : i32
        %dma_start3A_120 = arith.constant 64 : i32
        %dma_start3A_121 = arith.constant 0 : i32
        %dma_start3A_122 = tpu.memref_slice %arg7[%dma_start3A_120, %dma_start3A_121] : memref<128x256xf32, #tpu.memory_space<vmem>> -> memref<64x256xf32, #tpu.memory_space<vmem>>
        %dma_start3A_123 = arith.constant 0 : i32
        %dma_start3A_124 = tpu.memref_slice %arg5[%add3A_109, %dma_start3A_119, %dma_start3A_123] : memref<50x2x64xi32, #tpu.memory_space<vmem>> -> memref<1x1x64xi32, #tpu.memory_space<vmem>>
        %dma_start3A_125 = tpu.memref_squeeze %dma_start3A_124 : memref<1x1x64xi32, #tpu.memory_space<vmem>> -> memref<64xi32, #tpu.memory_space<vmem>>
        %dma_start3A_126 = arith.constant 0 : i32
        %dma_start3A_127 = tpu.memref_slice %arg3[%dma_start3A_126, %multiple_of3A] : memref<53228x1024xf32, #tpu.memory_space<hbm>> -> memref<53228x256xf32, #tpu.memory_space<hbm>>
        tpu.enqueue_indirect_dma source(%dma_start3A_127 : memref<53228x256xf32, #tpu.memory_space<hbm>>) target(%dma_start3A_122 : memref<64x256xf32, #tpu.memory_space<vmem>>) offsets(%dma_start3A_125 : memref<64xi32, #tpu.memory_space<vmem>>) semaphore(%arg11 : memref<!tpu.dma_semaphore, #tpu.memory_space<semaphore_mem>>)
        %gt3A = arith.constant 0 : i32
        %gt3A_128 = arith.cmpi sgt, %scan3A_51, %gt3A : i32
        %gt3A_129 = arith.constant 0 : i32
        %gt3A_130 = arith.cmpi sgt, %scan3A_83, %gt3A_129 : i32
        %or3A = arith.ori %gt3A_128, %gt3A_130 : i1
        %convert_element_type3A = arith.extui %or3A : i1 to i32
        %cond3A = arith.constant 0 : i32
        %cond3A_131 = arith.cmpi ne, %convert_element_type3A, %cond3A : i32
        scf.if %cond3A_131 {
          %dma_wait3A_194 = arith.constant 0 : i32
          %dma_wait3A_195 = arith.constant 0 : i32
          %dma_wait3A_196 = tpu.memref_slice %arg4[%dma_wait3A_194, %dma_wait3A_195, %multiple_of3A] : memref<100x1024x1024xf32, #tpu.memory_space<hbm>> -> memref<1x64x256xf32, #tpu.memory_space<hbm>>
          %dma_wait3A_197 = tpu.memref_squeeze %dma_wait3A_196 : memref<1x64x256xf32, #tpu.memory_space<hbm>> -> memref<64x256xf32, #tpu.memory_space<hbm>>
          %dma_wait3A_198 = arith.constant 0 : i32
          %dma_wait3A_199 = tpu.memref_slice %arg4[%dma_wait3A_194, %dma_wait3A_198, %multiple_of3A] : memref<100x1024x1024xf32, #tpu.memory_space<hbm>> -> memref<1x64x256xf32, #tpu.memory_space<hbm>>
          %dma_wait3A_200 = tpu.memref_squeeze %dma_wait3A_199 : memref<1x64x256xf32, #tpu.memory_space<hbm>> -> memref<64x256xf32, #tpu.memory_space<hbm>>
          tpu.wait_dma2 semaphore(%arg12 : memref<!tpu.dma_semaphore, #tpu.memory_space<semaphore_mem>>) src(%arg8 : memref<64x256xf32, #tpu.memory_space<vmem>>) dst(%dma_wait3A_200 : memref<64x256xf32, #tpu.memory_space<hbm>>)
        } else {
        }
        %parallel_loop3A = arith.constant 0 : i32
        %parallel_loop3A_132 = arith.constant 64 : i32
        %parallel_loop3A_133 = arith.constant 1 : i32
        scf.for %parallel_loop3A_194 = %parallel_loop3A to %parallel_loop3A_132 step %parallel_loop3A_133  : i32 {
          %parallel_loop3A_195 = arith.index_cast %parallel_loop3A_194 : i32 to index
          %parallel_loop3A_196 = arith.constant 0 : index
          %parallel_loop3A_197 = tpu.vector_load %arg6[%parallel_loop3A_195, %parallel_loop3A_196] {strides = array<i32>} : memref<128x256xf32, #tpu.memory_space<vmem>>, vector<1x16xf32>,
          %parallel_loop3A_198 = vector.shape_cast %parallel_loop3A_197 : vector<1x16xf32> to vector<16xf32>
          %parallel_loop3A_199 = arith.constant 64 : i32
          %parallel_loop3A_200 = arith.addi %parallel_loop3A_199, %parallel_loop3A_194 : i32
          %parallel_loop3A_201 = arith.index_cast %parallel_loop3A_200 : i32 to index
          %parallel_loop3A_202 = arith.constant 0 : index
          %parallel_loop3A_203 = tpu.vector_load %arg6[%parallel_loop3A_201, %parallel_loop3A_202] {strides = array<i32>} : memref<128x256xf32, #tpu.memory_space<vmem>>, vector<1x16xf32>,
          %parallel_loop3A_204 = vector.shape_cast %parallel_loop3A_203 : vector<1x16xf32> to vector<16xf32>
          %parallel_loop3A_205 = arith.addf %parallel_loop3A_198, %parallel_loop3A_204 : vector<16xf32>
          %parallel_loop3A_206 = arith.constant 5.000000e-01 : f32
          %parallel_loop3A_207 = vector.broadcast %parallel_loop3A_206 : f32 to vector<16xf32>
          %parallel_loop3A_208 = arith.mulf %parallel_loop3A_205, %parallel_loop3A_207 : vector<16xf32>
          %parallel_loop3A_209 = arith.index_cast %parallel_loop3A_194 : i32 to index
          %parallel_loop3A_210 = arith.constant 0 : index
          %parallel_loop3A_211 = tpu.vector_load %arg8[%parallel_loop3A_209, %parallel_loop3A_210] {strides = array<i32>} : memref<64x256xf32, #tpu.memory_space<vmem>>, vector<1x16xf32>,
          %parallel_loop3A_212 = vector.shape_cast %parallel_loop3A_211 : vector<1x16xf32> to vector<16xf32>
          %parallel_loop3A_213 = vector.shape_cast %parallel_loop3A_208 : vector<16xf32> to vector<1x16xf32>
          tpu.vector_store %arg8[%parallel_loop3A_209, %parallel_loop3A_210], %parallel_loop3A_213 {strides = array<i32>} : memref<64x256xf32, #tpu.memory_space<vmem>>, vector<1x16xf32>,
          %parallel_loop3A_214 = arith.index_cast %parallel_loop3A_194 : i32 to index
          %parallel_loop3A_215 = arith.constant 16 : index
          %parallel_loop3A_216 = tpu.vector_load %arg6[%parallel_loop3A_214, %parallel_loop3A_215] {strides = array<i32>} : memref<128x256xf32, #tpu.memory_space<vmem>>, vector<1x16xf32>,
          %parallel_loop3A_217 = vector.shape_cast %parallel_loop3A_216 : vector<1x16xf32> to vector<16xf32>
          %parallel_loop3A_218 = arith.constant 64 : i32
          %parallel_loop3A_219 = arith.addi %parallel_loop3A_218, %parallel_loop3A_194 : i32
          %parallel_loop3A_220 = arith.index_cast %parallel_loop3A_219 : i32 to index
          %parallel_loop3A_221 = arith.constant 16 : index
          %parallel_loop3A_222 = tpu.vector_load %arg6[%parallel_loop3A_220, %parallel_loop3A_221] {strides = array<i32>} : memref<128x256xf32, #tpu.memory_space<vmem>>, vector<1x16xf32>,
          %parallel_loop3A_223 = vector.shape_cast %parallel_loop3A_222 : vector<1x16xf32> to vector<16xf32>
          %parallel_loop3A_224 = arith.addf %parallel_loop3A_217, %parallel_loop3A_223 : vector<16xf32>
          %parallel_loop3A_225 = arith.constant 5.000000e-01 : f32
          %parallel_loop3A_226 = vector.broadcast %parallel_loop3A_225 : f32 to vector<16xf32>
          %parallel_loop3A_227 = arith.mulf %parallel_loop3A_224, %parallel_loop3A_226 : vector<16xf32>
          %parallel_loop3A_228 = arith.index_cast %parallel_loop3A_194 : i32 to index
          %parallel_loop3A_229 = arith.constant 16 : index
          %parallel_loop3A_230 = tpu.vector_load %arg8[%parallel_loop3A_228, %parallel_loop3A_229] {strides = array<i32>} : memref<64x256xf32, #tpu.memory_space<vmem>>, vector<1x16xf32>,
          %parallel_loop3A_231 = vector.shape_cast %parallel_loop3A_230 : vector<1x16xf32> to vector<16xf32>
          %parallel_loop3A_232 = vector.shape_cast %parallel_loop3A_227 : vector<16xf32> to vector<1x16xf32>
          tpu.vector_store %arg8[%parallel_loop3A_228, %parallel_loop3A_229], %parallel_loop3A_232 {strides = array<i32>} : memref<64x256xf32, #tpu.memory_space<vmem>>, vector<1x16xf32>,
          %parallel_loop3A_233 = arith.index_cast %parallel_loop3A_194 : i32 to index
          %parallel_loop3A_234 = arith.constant 32 : index
          %parallel_loop3A_235 = tpu.vector_load %arg6[%parallel_loop3A_233, %parallel_loop3A_234] {strides = array<i32>} : memref<128x256xf32, #tpu.memory_space<vmem>>, vector<1x16xf32>,
          %parallel_loop3A_236 = vector.shape_cast %parallel_loop3A_235 : vector<1x16xf32> to vector<16xf32>
          %parallel_loop3A_237 = arith.constant 64 : i32
          %parallel_loop3A_238 = arith.addi %parallel_loop3A_237, %parallel_loop3A_194 : i32
          %parallel_loop3A_239 = arith.index_cast %parallel_loop3A_238 : i32 to index
          %parallel_loop3A_240 = arith.constant 32 : index
          %parallel_loop3A_241 = tpu.vector_load %arg6[%parallel_loop3A_239, %parallel_loop3A_240] {strides = array<i32>} : memref<128x256xf32, #tpu.memory_space<vmem>>, vector<1x16xf32>,
          %parallel_loop3A_242 = vector.shape_cast %parallel_loop3A_241 : vector<1x16xf32> to vector<16xf32>
          %parallel_loop3A_243 = arith.addf %parallel_loop3A_236, %parallel_loop3A_242 : vector<16xf32>
          %parallel_loop3A_244 = arith.constant 5.000000e-01 : f32
          %parallel_loop3A_245 = vector.broadcast %parallel_loop3A_244 : f32 to vector<16xf32>
          %parallel_loop3A_246 = arith.mulf %parallel_loop3A_243, %parallel_loop3A_245 : vector<16xf32>
          %parallel_loop3A_247 = arith.index_cast %parallel_loop3A_194 : i32 to index
          %parallel_loop3A_248 = arith.constant 32 : index
          %parallel_loop3A_249 = tpu.vector_load %arg8[%parallel_loop3A_247, %parallel_loop3A_248] {strides = array<i32>} : memref<64x256xf32, #tpu.memory_space<vmem>>, vector<1x16xf32>,
          %parallel_loop3A_250 = vector.shape_cast %parallel_loop3A_249 : vector<1x16xf32> to vector<16xf32>
          %parallel_loop3A_251 = vector.shape_cast %parallel_loop3A_246 : vector<16xf32> to vector<1x16xf32>
          tpu.vector_store %arg8[%parallel_loop3A_247, %parallel_loop3A_248], %parallel_loop3A_251 {strides = array<i32>} : memref<64x256xf32, #tpu.memory_space<vmem>>, vector<1x16xf32>,
          %parallel_loop3A_252 = arith.index_cast %parallel_loop3A_194 : i32 to index
          %parallel_loop3A_253 = arith.constant 48 : index
          %parallel_loop3A_254 = tpu.vector_load %arg6[%parallel_loop3A_252, %parallel_loop3A_253] {strides = array<i32>} : memref<128x256xf32, #tpu.memory_space<vmem>>, vector<1x16xf32>,
          %parallel_loop3A_255 = vector.shape_cast %parallel_loop3A_254 : vector<1x16xf32> to vector<16xf32>
          %parallel_loop3A_256 = arith.constant 64 : i32
          %parallel_loop3A_257 = arith.addi %parallel_loop3A_256, %parallel_loop3A_194 : i32
          %parallel_loop3A_258 = arith.index_cast %parallel_loop3A_257 : i32 to index
          %parallel_loop3A_259 = arith.constant 48 : index
          %parallel_loop3A_260 = tpu.vector_load %arg6[%parallel_loop3A_258, %parallel_loop3A_259] {strides = array<i32>} : memref<128x256xf32, #tpu.memory_space<vmem>>, vector<1x16xf32>,
          %parallel_loop3A_261 = vector.shape_cast %parallel_loop3A_260 : vector<1x16xf32> to vector<16xf32>
          %parallel_loop3A_262 = arith.addf %parallel_loop3A_255, %parallel_loop3A_261 : vector<16xf32>
          %parallel_loop3A_263 = arith.constant 5.000000e-01 : f32
          %parallel_loop3A_264 = vector.broadcast %parallel_loop3A_263 : f32 to vector<16xf32>
          %parallel_loop3A_265 = arith.mulf %parallel_loop3A_262, %parallel_loop3A_264 : vector<16xf32>
          %parallel_loop3A_266 = arith.index_cast %parallel_loop3A_194 : i32 to index
          %parallel_loop3A_267 = arith.constant 48 : index
          %parallel_loop3A_268 = tpu.vector_load %arg8[%parallel_loop3A_266, %parallel_loop3A_267] {strides = array<i32>} : memref<64x256xf32, #tpu.memory_space<vmem>>, vector<1x16xf32>,
          %parallel_loop3A_269 = vector.shape_cast %parallel_loop3A_268 : vector<1x16xf32> to vector<16xf32>
          %parallel_loop3A_270 = vector.shape_cast %parallel_loop3A_265 : vector<16xf32> to vector<1x16xf32>
          tpu.vector_store %arg8[%parallel_loop3A_266, %parallel_loop3A_267], %parallel_loop3A_270 {strides = array<i32>} : memref<64x256xf32, #tpu.memory_space<vmem>>, vector<1x16xf32>,
          %parallel_loop3A_271 = arith.index_cast %parallel_loop3A_194 : i32 to index
          %parallel_loop3A_272 = arith.constant 64 : index
          %parallel_loop3A_273 = tpu.vector_load %arg6[%parallel_loop3A_271, %parallel_loop3A_272] {strides = array<i32>} : memref<128x256xf32, #tpu.memory_space<vmem>>, vector<1x16xf32>,
          %parallel_loop3A_274 = vector.shape_cast %parallel_loop3A_273 : vector<1x16xf32> to vector<16xf32>
          %parallel_loop3A_275 = arith.constant 64 : i32
          %parallel_loop3A_276 = arith.addi %parallel_loop3A_275, %parallel_loop3A_194 : i32
          %parallel_loop3A_277 = arith.index_cast %parallel_loop3A_276 : i32 to index
          %parallel_loop3A_278 = arith.constant 64 : index
          %parallel_loop3A_279 = tpu.vector_load %arg6[%parallel_loop3A_277, %parallel_loop3A_278] {strides = array<i32>} : memref<128x256xf32, #tpu.memory_space<vmem>>, vector<1x16xf32>,
          %parallel_loop3A_280 = vector.shape_cast %parallel_loop3A_279 : vector<1x16xf32> to vector<16xf32>
          %parallel_loop3A_281 = arith.addf %parallel_loop3A_274, %parallel_loop3A_280 : vector<16xf32>
          %parallel_loop3A_282 = arith.constant 5.000000e-01 : f32
          %parallel_loop3A_283 = vector.broadcast %parallel_loop3A_282 : f32 to vector<16xf32>
          %parallel_loop3A_284 = arith.mulf %parallel_loop3A_281, %parallel_loop3A_283 : vector<16xf32>
          %parallel_loop3A_285 = arith.index_cast %parallel_loop3A_194 : i32 to index
          %parallel_loop3A_286 = arith.constant 64 : index
          %parallel_loop3A_287 = tpu.vector_load %arg8[%parallel_loop3A_285, %parallel_loop3A_286] {strides = array<i32>} : memref<64x256xf32, #tpu.memory_space<vmem>>, vector<1x16xf32>,
          %parallel_loop3A_288 = vector.shape_cast %parallel_loop3A_287 : vector<1x16xf32> to vector<16xf32>
          %parallel_loop3A_289 = vector.shape_cast %parallel_loop3A_284 : vector<16xf32> to vector<1x16xf32>
          tpu.vector_store %arg8[%parallel_loop3A_285, %parallel_loop3A_286], %parallel_loop3A_289 {strides = array<i32>} : memref<64x256xf32, #tpu.memory_space<vmem>>, vector<1x16xf32>,
          %parallel_loop3A_290 = arith.index_cast %parallel_loop3A_194 : i32 to index
          %parallel_loop3A_291 = arith.constant 80 : index
          %parallel_loop3A_292 = tpu.vector_load %arg6[%parallel_loop3A_290, %parallel_loop3A_291] {strides = array<i32>} : memref<128x256xf32, #tpu.memory_space<vmem>>, vector<1x16xf32>,
          %parallel_loop3A_293 = vector.shape_cast %parallel_loop3A_292 : vector<1x16xf32> to vector<16xf32>
          %parallel_loop3A_294 = arith.constant 64 : i32
          %parallel_loop3A_295 = arith.addi %parallel_loop3A_294, %parallel_loop3A_194 : i32
          %parallel_loop3A_296 = arith.index_cast %parallel_loop3A_295 : i32 to index
          %parallel_loop3A_297 = arith.constant 80 : index
          %parallel_loop3A_298 = tpu.vector_load %arg6[%parallel_loop3A_296, %parallel_loop3A_297] {strides = array<i32>} : memref<128x256xf32, #tpu.memory_space<vmem>>, vector<1x16xf32>,
          %parallel_loop3A_299 = vector.shape_cast %parallel_loop3A_298 : vector<1x16xf32> to vector<16xf32>
          %parallel_loop3A_300 = arith.addf %parallel_loop3A_293, %parallel_loop3A_299 : vector<16xf32>
          %parallel_loop3A_301 = arith.constant 5.000000e-01 : f32
          %parallel_loop3A_302 = vector.broadcast %parallel_loop3A_301 : f32 to vector<16xf32>
          %parallel_loop3A_303 = arith.mulf %parallel_loop3A_300, %parallel_loop3A_302 : vector<16xf32>
          %parallel_loop3A_304 = arith.index_cast %parallel_loop3A_194 : i32 to index
          %parallel_loop3A_305 = arith.constant 80 : index
          %parallel_loop3A_306 = tpu.vector_load %arg8[%parallel_loop3A_304, %parallel_loop3A_305] {strides = array<i32>} : memref<64x256xf32, #tpu.memory_space<vmem>>, vector<1x16xf32>,
          %parallel_loop3A_307 = vector.shape_cast %parallel_loop3A_306 : vector<1x16xf32> to vector<16xf32>
          %parallel_loop3A_308 = vector.shape_cast %parallel_loop3A_303 : vector<16xf32> to vector<1x16xf32>
          tpu.vector_store %arg8[%parallel_loop3A_304, %parallel_loop3A_305], %parallel_loop3A_308 {strides = array<i32>} : memref<64x256xf32, #tpu.memory_space<vmem>>, vector<1x16xf32>,
          %parallel_loop3A_309 = arith.index_cast %parallel_loop3A_194 : i32 to index
          %parallel_loop3A_310 = arith.constant 96 : index
          %parallel_loop3A_311 = tpu.vector_load %arg6[%parallel_loop3A_309, %parallel_loop3A_310] {strides = array<i32>} : memref<128x256xf32, #tpu.memory_space<vmem>>, vector<1x16xf32>,
          %parallel_loop3A_312 = vector.shape_cast %parallel_loop3A_311 : vector<1x16xf32> to vector<16xf32>
          %parallel_loop3A_313 = arith.constant 64 : i32
          %parallel_loop3A_314 = arith.addi %parallel_loop3A_313, %parallel_loop3A_194 : i32
          %parallel_loop3A_315 = arith.index_cast %parallel_loop3A_314 : i32 to index
          %parallel_loop3A_316 = arith.constant 96 : index
          %parallel_loop3A_317 = tpu.vector_load %arg6[%parallel_loop3A_315, %parallel_loop3A_316] {strides = array<i32>} : memref<128x256xf32, #tpu.memory_space<vmem>>, vector<1x16xf32>,
          %parallel_loop3A_318 = vector.shape_cast %parallel_loop3A_317 : vector<1x16xf32> to vector<16xf32>
          %parallel_loop3A_319 = arith.addf %parallel_loop3A_312, %parallel_loop3A_318 : vector<16xf32>
          %parallel_loop3A_320 = arith.constant 5.000000e-01 : f32
          %parallel_loop3A_321 = vector.broadcast %parallel_loop3A_320 : f32 to vector<16xf32>
          %parallel_loop3A_322 = arith.mulf %parallel_loop3A_319, %parallel_loop3A_321 : vector<16xf32>
          %parallel_loop3A_323 = arith.index_cast %parallel_loop3A_194 : i32 to index
          %parallel_loop3A_324 = arith.constant 96 : index
          %parallel_loop3A_325 = tpu.vector_load %arg8[%parallel_loop3A_323, %parallel_loop3A_324] {strides = array<i32>} : memref<64x256xf32, #tpu.memory_space<vmem>>, vector<1x16xf32>,
          %parallel_loop3A_326 = vector.shape_cast %parallel_loop3A_325 : vector<1x16xf32> to vector<16xf32>
          %parallel_loop3A_327 = vector.shape_cast %parallel_loop3A_322 : vector<16xf32> to vector<1x16xf32>
          tpu.vector_store %arg8[%parallel_loop3A_323, %parallel_loop3A_324], %parallel_loop3A_327 {strides = array<i32>} : memref<64x256xf32, #tpu.memory_space<vmem>>, vector<1x16xf32>,
          %parallel_loop3A_328 = arith.index_cast %parallel_loop3A_194 : i32 to index
          %parallel_loop3A_329 = arith.constant 112 : index
          %parallel_loop3A_330 = tpu.vector_load %arg6[%parallel_loop3A_328, %parallel_loop3A_329] {strides = array<i32>} : memref<128x256xf32, #tpu.memory_space<vmem>>, vector<1x16xf32>,
          %parallel_loop3A_331 = vector.shape_cast %parallel_loop3A_330 : vector<1x16xf32> to vector<16xf32>
          %parallel_loop3A_332 = arith.constant 64 : i32
          %parallel_loop3A_333 = arith.addi %parallel_loop3A_332, %parallel_loop3A_194 : i32
          %parallel_loop3A_334 = arith.index_cast %parallel_loop3A_333 : i32 to index
          %parallel_loop3A_335 = arith.constant 112 : index
          %parallel_loop3A_336 = tpu.vector_load %arg6[%parallel_loop3A_334, %parallel_loop3A_335] {strides = array<i32>} : memref<128x256xf32, #tpu.memory_space<vmem>>, vector<1x16xf32>,
          %parallel_loop3A_337 = vector.shape_cast %parallel_loop3A_336 : vector<1x16xf32> to vector<16xf32>
          %parallel_loop3A_338 = arith.addf %parallel_loop3A_331, %parallel_loop3A_337 : vector<16xf32>
          %parallel_loop3A_339 = arith.constant 5.000000e-01 : f32
          %parallel_loop3A_340 = vector.broadcast %parallel_loop3A_339 : f32 to vector<16xf32>
          %parallel_loop3A_341 = arith.mulf %parallel_loop3A_338, %parallel_loop3A_340 : vector<16xf32>
          %parallel_loop3A_342 = arith.index_cast %parallel_loop3A_194 : i32 to index
          %parallel_loop3A_343 = arith.constant 112 : index
          %parallel_loop3A_344 = tpu.vector_load %arg8[%parallel_loop3A_342, %parallel_loop3A_343] {strides = array<i32>} : memref<64x256xf32, #tpu.memory_space<vmem>>, vector<1x16xf32>,
          %parallel_loop3A_345 = vector.shape_cast %parallel_loop3A_344 : vector<1x16xf32> to vector<16xf32>
          %parallel_loop3A_346 = vector.shape_cast %parallel_loop3A_341 : vector<16xf32> to vector<1x16xf32>
          tpu.vector_store %arg8[%parallel_loop3A_342, %parallel_loop3A_343], %parallel_loop3A_346 {strides = array<i32>} : memref<64x256xf32, #tpu.memory_space<vmem>>, vector<1x16xf32>,
          %parallel_loop3A_347 = arith.index_cast %parallel_loop3A_194 : i32 to index
          %parallel_loop3A_348 = arith.constant 128 : index
          %parallel_loop3A_349 = tpu.vector_load %arg6[%parallel_loop3A_347, %parallel_loop3A_348] {strides = array<i32>} : memref<128x256xf32, #tpu.memory_space<vmem>>, vector<1x16xf32>,
          %parallel_loop3A_350 = vector.shape_cast %parallel_loop3A_349 : vector<1x16xf32> to vector<16xf32>
          %parallel_loop3A_351 = arith.constant 64 : i32
          %parallel_loop3A_352 = arith.addi %parallel_loop3A_351, %parallel_loop3A_194 : i32
          %parallel_loop3A_353 = arith.index_cast %parallel_loop3A_352 : i32 to index
          %parallel_loop3A_354 = arith.constant 128 : index
          %parallel_loop3A_355 = tpu.vector_load %arg6[%parallel_loop3A_353, %parallel_loop3A_354] {strides = array<i32>} : memref<128x256xf32, #tpu.memory_space<vmem>>, vector<1x16xf32>,
          %parallel_loop3A_356 = vector.shape_cast %parallel_loop3A_355 : vector<1x16xf32> to vector<16xf32>
          %parallel_loop3A_357 = arith.addf %parallel_loop3A_350, %parallel_loop3A_356 : vector<16xf32>
          %parallel_loop3A_358 = arith.constant 5.000000e-01 : f32
          %parallel_loop3A_359 = vector.broadcast %parallel_loop3A_358 : f32 to vector<16xf32>
          %parallel_loop3A_360 = arith.mulf %parallel_loop3A_357, %parallel_loop3A_359 : vector<16xf32>
          %parallel_loop3A_361 = arith.index_cast %parallel_loop3A_194 : i32 to index
          %parallel_loop3A_362 = arith.constant 128 : index
          %parallel_loop3A_363 = tpu.vector_load %arg8[%parallel_loop3A_361, %parallel_loop3A_362] {strides = array<i32>} : memref<64x256xf32, #tpu.memory_space<vmem>>, vector<1x16xf32>,
          %parallel_loop3A_364 = vector.shape_cast %parallel_loop3A_363 : vector<1x16xf32> to vector<16xf32>
          %parallel_loop3A_365 = vector.shape_cast %parallel_loop3A_360 : vector<16xf32> to vector<1x16xf32>
          tpu.vector_store %arg8[%parallel_loop3A_361, %parallel_loop3A_362], %parallel_loop3A_365 {strides = array<i32>} : memref<64x256xf32, #tpu.memory_space<vmem>>, vector<1x16xf32>,
          %parallel_loop3A_366 = arith.index_cast %parallel_loop3A_194 : i32 to index
          %parallel_loop3A_367 = arith.constant 144 : index
          %parallel_loop3A_368 = tpu.vector_load %arg6[%parallel_loop3A_366, %parallel_loop3A_367] {strides = array<i32>} : memref<128x256xf32, #tpu.memory_space<vmem>>, vector<1x16xf32>,
          %parallel_loop3A_369 = vector.shape_cast %parallel_loop3A_368 : vector<1x16xf32> to vector<16xf32>
          %parallel_loop3A_370 = arith.constant 64 : i32
          %parallel_loop3A_371 = arith.addi %parallel_loop3A_370, %parallel_loop3A_194 : i32
          %parallel_loop3A_372 = arith.index_cast %parallel_loop3A_371 : i32 to index
          %parallel_loop3A_373 = arith.constant 144 : index
          %parallel_loop3A_374 = tpu.vector_load %arg6[%parallel_loop3A_372, %parallel_loop3A_373] {strides = array<i32>} : memref<128x256xf32, #tpu.memory_space<vmem>>, vector<1x16xf32>,
          %parallel_loop3A_375 = vector.shape_cast %parallel_loop3A_374 : vector<1x16xf32> to vector<16xf32>
          %parallel_loop3A_376 = arith.addf %parallel_loop3A_369, %parallel_loop3A_375 : vector<16xf32>
          %parallel_loop3A_377 = arith.constant 5.000000e-01 : f32
          %parallel_loop3A_378 = vector.broadcast %parallel_loop3A_377 : f32 to vector<16xf32>
          %parallel_loop3A_379 = arith.mulf %parallel_loop3A_376, %parallel_loop3A_378 : vector<16xf32>
          %parallel_loop3A_380 = arith.index_cast %parallel_loop3A_194 : i32 to index
          %parallel_loop3A_381 = arith.constant 144 : index
          %parallel_loop3A_382 = tpu.vector_load %arg8[%parallel_loop3A_380, %parallel_loop3A_381] {strides = array<i32>} : memref<64x256xf32, #tpu.memory_space<vmem>>, vector<1x16xf32>,
          %parallel_loop3A_383 = vector.shape_cast %parallel_loop3A_382 : vector<1x16xf32> to vector<16xf32>
          %parallel_loop3A_384 = vector.shape_cast %parallel_loop3A_379 : vector<16xf32> to vector<1x16xf32>
          tpu.vector_store %arg8[%parallel_loop3A_380, %parallel_loop3A_381], %parallel_loop3A_384 {strides = array<i32>} : memref<64x256xf32, #tpu.memory_space<vmem>>, vector<1x16xf32>,
          %parallel_loop3A_385 = arith.index_cast %parallel_loop3A_194 : i32 to index
          %parallel_loop3A_386 = arith.constant 160 : index
          %parallel_loop3A_387 = tpu.vector_load %arg6[%parallel_loop3A_385, %parallel_loop3A_386] {strides = array<i32>} : memref<128x256xf32, #tpu.memory_space<vmem>>, vector<1x16xf32>,
          %parallel_loop3A_388 = vector.shape_cast %parallel_loop3A_387 : vector<1x16xf32> to vector<16xf32>
          %parallel_loop3A_389 = arith.constant 64 : i32
          %parallel_loop3A_390 = arith.addi %parallel_loop3A_389, %parallel_loop3A_194 : i32
          %parallel_loop3A_391 = arith.index_cast %parallel_loop3A_390 : i32 to index
          %parallel_loop3A_392 = arith.constant 160 : index
          %parallel_loop3A_393 = tpu.vector_load %arg6[%parallel_loop3A_391, %parallel_loop3A_392] {strides = array<i32>} : memref<128x256xf32, #tpu.memory_space<vmem>>, vector<1x16xf32>,
          %parallel_loop3A_394 = vector.shape_cast %parallel_loop3A_393 : vector<1x16xf32> to vector<16xf32>
          %parallel_loop3A_395 = arith.addf %parallel_loop3A_388, %parallel_loop3A_394 : vector<16xf32>
          %parallel_loop3A_396 = arith.constant 5.000000e-01 : f32
          %parallel_loop3A_397 = vector.broadcast %parallel_loop3A_396 : f32 to vector<16xf32>
          %parallel_loop3A_398 = arith.mulf %parallel_loop3A_395, %parallel_loop3A_397 : vector<16xf32>
          %parallel_loop3A_399 = arith.index_cast %parallel_loop3A_194 : i32 to index
          %parallel_loop3A_400 = arith.constant 160 : index
          %parallel_loop3A_401 = tpu.vector_load %arg8[%parallel_loop3A_399, %parallel_loop3A_400] {strides = array<i32>} : memref<64x256xf32, #tpu.memory_space<vmem>>, vector<1x16xf32>,
          %parallel_loop3A_402 = vector.shape_cast %parallel_loop3A_401 : vector<1x16xf32> to vector<16xf32>
          %parallel_loop3A_403 = vector.shape_cast %parallel_loop3A_398 : vector<16xf32> to vector<1x16xf32>
          tpu.vector_store %arg8[%parallel_loop3A_399, %parallel_loop3A_400], %parallel_loop3A_403 {strides = array<i32>} : memref<64x256xf32, #tpu.memory_space<vmem>>, vector<1x16xf32>,
          %parallel_loop3A_404 = arith.index_cast %parallel_loop3A_194 : i32 to index
          %parallel_loop3A_405 = arith.constant 176 : index
          %parallel_loop3A_406 = tpu.vector_load %arg6[%parallel_loop3A_404, %parallel_loop3A_405] {strides = array<i32>} : memref<128x256xf32, #tpu.memory_space<vmem>>, vector<1x16xf32>,
          %parallel_loop3A_407 = vector.shape_cast %parallel_loop3A_406 : vector<1x16xf32> to vector<16xf32>
          %parallel_loop3A_408 = arith.constant 64 : i32
          %parallel_loop3A_409 = arith.addi %parallel_loop3A_408, %parallel_loop3A_194 : i32
          %parallel_loop3A_410 = arith.index_cast %parallel_loop3A_409 : i32 to index
          %parallel_loop3A_411 = arith.constant 176 : index
          %parallel_loop3A_412 = tpu.vector_load %arg6[%parallel_loop3A_410, %parallel_loop3A_411] {strides = array<i32>} : memref<128x256xf32, #tpu.memory_space<vmem>>, vector<1x16xf32>,
          %parallel_loop3A_413 = vector.shape_cast %parallel_loop3A_412 : vector<1x16xf32> to vector<16xf32>
          %parallel_loop3A_414 = arith.addf %parallel_loop3A_407, %parallel_loop3A_413 : vector<16xf32>
          %parallel_loop3A_415 = arith.constant 5.000000e-01 : f32
          %parallel_loop3A_416 = vector.broadcast %parallel_loop3A_415 : f32 to vector<16xf32>
          %parallel_loop3A_417 = arith.mulf %parallel_loop3A_414, %parallel_loop3A_416 : vector<16xf32>
          %parallel_loop3A_418 = arith.index_cast %parallel_loop3A_194 : i32 to index
          %parallel_loop3A_419 = arith.constant 176 : index
          %parallel_loop3A_420 = tpu.vector_load %arg8[%parallel_loop3A_418, %parallel_loop3A_419] {strides = array<i32>} : memref<64x256xf32, #tpu.memory_space<vmem>>, vector<1x16xf32>,
          %parallel_loop3A_421 = vector.shape_cast %parallel_loop3A_420 : vector<1x16xf32> to vector<16xf32>
          %parallel_loop3A_422 = vector.shape_cast %parallel_loop3A_417 : vector<16xf32> to vector<1x16xf32>
          tpu.vector_store %arg8[%parallel_loop3A_418, %parallel_loop3A_419], %parallel_loop3A_422 {strides = array<i32>} : memref<64x256xf32, #tpu.memory_space<vmem>>, vector<1x16xf32>,
          %parallel_loop3A_423 = arith.index_cast %parallel_loop3A_194 : i32 to index
          %parallel_loop3A_424 = arith.constant 192 : index
          %parallel_loop3A_425 = tpu.vector_load %arg6[%parallel_loop3A_423, %parallel_loop3A_424] {strides = array<i32>} : memref<128x256xf32, #tpu.memory_space<vmem>>, vector<1x16xf32>,
          %parallel_loop3A_426 = vector.shape_cast %parallel_loop3A_425 : vector<1x16xf32> to vector<16xf32>
          %parallel_loop3A_427 = arith.constant 64 : i32
          %parallel_loop3A_428 = arith.addi %parallel_loop3A_427, %parallel_loop3A_194 : i32
          %parallel_loop3A_429 = arith.index_cast %parallel_loop3A_428 : i32 to index
          %parallel_loop3A_430 = arith.constant 192 : index
          %parallel_loop3A_431 = tpu.vector_load %arg6[%parallel_loop3A_429, %parallel_loop3A_430] {strides = array<i32>} : memref<128x256xf32, #tpu.memory_space<vmem>>, vector<1x16xf32>,
          %parallel_loop3A_432 = vector.shape_cast %parallel_loop3A_431 : vector<1x16xf32> to vector<16xf32>
          %parallel_loop3A_433 = arith.addf %parallel_loop3A_426, %parallel_loop3A_432 : vector<16xf32>
          %parallel_loop3A_434 = arith.constant 5.000000e-01 : f32
          %parallel_loop3A_435 = vector.broadcast %parallel_loop3A_434 : f32 to vector<16xf32>
          %parallel_loop3A_436 = arith.mulf %parallel_loop3A_433, %parallel_loop3A_435 : vector<16xf32>
          %parallel_loop3A_437 = arith.index_cast %parallel_loop3A_194 : i32 to index
          %parallel_loop3A_438 = arith.constant 192 : index
          %parallel_loop3A_439 = tpu.vector_load %arg8[%parallel_loop3A_437, %parallel_loop3A_438] {strides = array<i32>} : memref<64x256xf32, #tpu.memory_space<vmem>>, vector<1x16xf32>,
          %parallel_loop3A_440 = vector.shape_cast %parallel_loop3A_439 : vector<1x16xf32> to vector<16xf32>
          %parallel_loop3A_441 = vector.shape_cast %parallel_loop3A_436 : vector<16xf32> to vector<1x16xf32>
          tpu.vector_store %arg8[%parallel_loop3A_437, %parallel_loop3A_438], %parallel_loop3A_441 {strides = array<i32>} : memref<64x256xf32, #tpu.memory_space<vmem>>, vector<1x16xf32>,
          %parallel_loop3A_442 = arith.index_cast %parallel_loop3A_194 : i32 to index
          %parallel_loop3A_443 = arith.constant 208 : index
          %parallel_loop3A_444 = tpu.vector_load %arg6[%parallel_loop3A_442, %parallel_loop3A_443] {strides = array<i32>} : memref<128x256xf32, #tpu.memory_space<vmem>>, vector<1x16xf32>,
          %parallel_loop3A_445 = vector.shape_cast %parallel_loop3A_444 : vector<1x16xf32> to vector<16xf32>
          %parallel_loop3A_446 = arith.constant 64 : i32
          %parallel_loop3A_447 = arith.addi %parallel_loop3A_446, %parallel_loop3A_194 : i32
          %parallel_loop3A_448 = arith.index_cast %parallel_loop3A_447 : i32 to index
          %parallel_loop3A_449 = arith.constant 208 : index
          %parallel_loop3A_450 = tpu.vector_load %arg6[%parallel_loop3A_448, %parallel_loop3A_449] {strides = array<i32>} : memref<128x256xf32, #tpu.memory_space<vmem>>, vector<1x16xf32>,
          %parallel_loop3A_451 = vector.shape_cast %parallel_loop3A_450 : vector<1x16xf32> to vector<16xf32>
          %parallel_loop3A_452 = arith.addf %parallel_loop3A_445, %parallel_loop3A_451 : vector<16xf32>
          %parallel_loop3A_453 = arith.constant 5.000000e-01 : f32
          %parallel_loop3A_454 = vector.broadcast %parallel_loop3A_453 : f32 to vector<16xf32>
          %parallel_loop3A_455 = arith.mulf %parallel_loop3A_452, %parallel_loop3A_454 : vector<16xf32>
          %parallel_loop3A_456 = arith.index_cast %parallel_loop3A_194 : i32 to index
          %parallel_loop3A_457 = arith.constant 208 : index
          %parallel_loop3A_458 = tpu.vector_load %arg8[%parallel_loop3A_456, %parallel_loop3A_457] {strides = array<i32>} : memref<64x256xf32, #tpu.memory_space<vmem>>, vector<1x16xf32>,
          %parallel_loop3A_459 = vector.shape_cast %parallel_loop3A_458 : vector<1x16xf32> to vector<16xf32>
          %parallel_loop3A_460 = vector.shape_cast %parallel_loop3A_455 : vector<16xf32> to vector<1x16xf32>
          tpu.vector_store %arg8[%parallel_loop3A_456, %parallel_loop3A_457], %parallel_loop3A_460 {strides = array<i32>} : memref<64x256xf32, #tpu.memory_space<vmem>>, vector<1x16xf32>,
          %parallel_loop3A_461 = arith.index_cast %parallel_loop3A_194 : i32 to index
          %parallel_loop3A_462 = arith.constant 224 : index
          %parallel_loop3A_463 = tpu.vector_load %arg6[%parallel_loop3A_461, %parallel_loop3A_462] {strides = array<i32>} : memref<128x256xf32, #tpu.memory_space<vmem>>, vector<1x16xf32>,
          %parallel_loop3A_464 = vector.shape_cast %parallel_loop3A_463 : vector<1x16xf32> to vector<16xf32>
          %parallel_loop3A_465 = arith.constant 64 : i32
          %parallel_loop3A_466 = arith.addi %parallel_loop3A_465, %parallel_loop3A_194 : i32
          %parallel_loop3A_467 = arith.index_cast %parallel_loop3A_466 : i32 to index
          %parallel_loop3A_468 = arith.constant 224 : index
          %parallel_loop3A_469 = tpu.vector_load %arg6[%parallel_loop3A_467, %parallel_loop3A_468] {strides = array<i32>} : memref<128x256xf32, #tpu.memory_space<vmem>>, vector<1x16xf32>,
          %parallel_loop3A_470 = vector.shape_cast %parallel_loop3A_469 : vector<1x16xf32> to vector<16xf32>
          %parallel_loop3A_471 = arith.addf %parallel_loop3A_464, %parallel_loop3A_470 : vector<16xf32>
          %parallel_loop3A_472 = arith.constant 5.000000e-01 : f32
          %parallel_loop3A_473 = vector.broadcast %parallel_loop3A_472 : f32 to vector<16xf32>
          %parallel_loop3A_474 = arith.mulf %parallel_loop3A_471, %parallel_loop3A_473 : vector<16xf32>
          %parallel_loop3A_475 = arith.index_cast %parallel_loop3A_194 : i32 to index
          %parallel_loop3A_476 = arith.constant 224 : index
          %parallel_loop3A_477 = tpu.vector_load %arg8[%parallel_loop3A_475, %parallel_loop3A_476] {strides = array<i32>} : memref<64x256xf32, #tpu.memory_space<vmem>>, vector<1x16xf32>,
          %parallel_loop3A_478 = vector.shape_cast %parallel_loop3A_477 : vector<1x16xf32> to vector<16xf32>
          %parallel_loop3A_479 = vector.shape_cast %parallel_loop3A_474 : vector<16xf32> to vector<1x16xf32>
          tpu.vector_store %arg8[%parallel_loop3A_475, %parallel_loop3A_476], %parallel_loop3A_479 {strides = array<i32>} : memref<64x256xf32, #tpu.memory_space<vmem>>, vector<1x16xf32>,
          %parallel_loop3A_480 = arith.index_cast %parallel_loop3A_194 : i32 to index
          %parallel_loop3A_481 = arith.constant 240 : index
          %parallel_loop3A_482 = tpu.vector_load %arg6[%parallel_loop3A_480, %parallel_loop3A_481] {strides = array<i32>} : memref<128x256xf32, #tpu.memory_space<vmem>>, vector<1x16xf32>,
          %parallel_loop3A_483 = vector.shape_cast %parallel_loop3A_482 : vector<1x16xf32> to vector<16xf32>
          %parallel_loop3A_484 = arith.constant 64 : i32
          %parallel_loop3A_485 = arith.addi %parallel_loop3A_484, %parallel_loop3A_194 : i32
          %parallel_loop3A_486 = arith.index_cast %parallel_loop3A_485 : i32 to index
          %parallel_loop3A_487 = arith.constant 240 : index
          %parallel_loop3A_488 = tpu.vector_load %arg6[%parallel_loop3A_486, %parallel_loop3A_487] {strides = array<i32>} : memref<128x256xf32, #tpu.memory_space<vmem>>, vector<1x16xf32>,
          %parallel_loop3A_489 = vector.shape_cast %parallel_loop3A_488 : vector<1x16xf32> to vector<16xf32>
          %parallel_loop3A_490 = arith.addf %parallel_loop3A_483, %parallel_loop3A_489 : vector<16xf32>
          %parallel_loop3A_491 = arith.constant 5.000000e-01 : f32
          %parallel_loop3A_492 = vector.broadcast %parallel_loop3A_491 : f32 to vector<16xf32>
          %parallel_loop3A_493 = arith.mulf %parallel_loop3A_490, %parallel_loop3A_492 : vector<16xf32>
          %parallel_loop3A_494 = arith.index_cast %parallel_loop3A_194 : i32 to index
          %parallel_loop3A_495 = arith.constant 240 : index
          %parallel_loop3A_496 = tpu.vector_load %arg8[%parallel_loop3A_494, %parallel_loop3A_495] {strides = array<i32>} : memref<64x256xf32, #tpu.memory_space<vmem>>, vector<1x16xf32>,
          %parallel_loop3A_497 = vector.shape_cast %parallel_loop3A_496 : vector<1x16xf32> to vector<16xf32>
          %parallel_loop3A_498 = vector.shape_cast %parallel_loop3A_493 : vector<16xf32> to vector<1x16xf32>
          tpu.vector_store %arg8[%parallel_loop3A_494, %parallel_loop3A_495], %parallel_loop3A_498 {strides = array<i32>} : memref<64x256xf32, #tpu.memory_space<vmem>>, vector<1x16xf32>,
        } {sc.loop_unroll_factor = 2 : i64, sc.parallel_access}
        %mul3A_134 = arith.constant 50 : i32
        %mul3A_135 = arith.muli %and3A_57, %mul3A_134 : i32
        %add3A_136 = arith.addi %mul3A_135, %add3A_87 : i32
        %mul3A_137 = arith.constant 64 : i32
        %mul3A_138 = arith.muli %add3A_55, %mul3A_137 : i32
        %multiple_of3A_139 = tpu.assume_multiple %mul3A_138, 64 : i32
        %dma_start3A_140 = tpu.memref_slice %arg4[%add3A_136, %multiple_of3A_139, %multiple_of3A] : memref<100x1024x1024xf32, #tpu.memory_space<hbm>> -> memref<1x64x256xf32, #tpu.memory_space<hbm>>
        %dma_start3A_141 = tpu.memref_squeeze %dma_start3A_140 : memref<1x64x256xf32, #tpu.memory_space<hbm>> -> memref<64x256xf32, #tpu.memory_space<hbm>>
        %dma_start3A_142 = tpu.memref_slice %arg4[%add3A_136, %multiple_of3A_139, %multiple_of3A] : memref<100x1024x1024xf32, #tpu.memory_space<hbm>> -> memref<1x64x256xf32, #tpu.memory_space<hbm>>
        %dma_start3A_143 = tpu.memref_squeeze %dma_start3A_142 : memref<1x64x256xf32, #tpu.memory_space<hbm>> -> memref<64x256xf32, #tpu.memory_space<hbm>>
        tpu.enqueue_dma source(%arg8 : memref<64x256xf32, #tpu.memory_space<vmem>>) target(%dma_start3A_143 : memref<64x256xf32, #tpu.memory_space<hbm>>) target_semaphore(%arg12 : memref<!tpu.dma_semaphore, #tpu.memory_space<semaphore_mem>>)
        %mul3A_144 = arith.constant 2 : i32
        %mul3A_145 = arith.muli %mul3A_144, %scan3A_83 : i32
        %add3A_146 = arith.constant 1 : i32
        %add3A_147 = arith.addi %mul3A_145, %add3A_146 : i32
        %dma_wait3A_148 = arith.constant 0 : i32
        %dma_wait3A_149 = arith.constant 0 : i32
        %dma_wait3A_150 = arith.constant 0 : i32
        %dma_wait3A_151 = arith.constant 0 : i32
        %dma_wait3A_152 = tpu.memref_slice %arg7[%dma_wait3A_150, %dma_wait3A_151] : memref<128x256xf32, #tpu.memory_space<vmem>> -> memref<64x256xf32, #tpu.memory_space<vmem>>
        %dma_wait3A_153 = arith.constant 0 : i32
        %dma_wait3A_154 = tpu.memref_slice %arg5[%dma_wait3A_148, %dma_wait3A_149, %dma_wait3A_153] : memref<50x2x64xi32, #tpu.memory_space<vmem>> -> memref<1x1x64xi32, #tpu.memory_space<vmem>>
        %dma_wait3A_155 = tpu.memref_squeeze %dma_wait3A_154 : memref<1x1x64xi32, #tpu.memory_space<vmem>> -> memref<64xi32, #tpu.memory_space<vmem>>
        %dma_wait3A_156 = arith.constant 0 : i32
        %dma_wait3A_157 = tpu.memref_slice %arg3[%dma_wait3A_156, %multiple_of3A] : memref<53228x1024xf32, #tpu.memory_space<hbm>> -> memref<53228x256xf32, #tpu.memory_space<hbm>>
        tpu.wait_indirect_dma semaphore(%arg11 : memref<!tpu.dma_semaphore, #tpu.memory_space<semaphore_mem>>) src(%dma_wait3A_157 : memref<53228x256xf32, #tpu.memory_space<hbm>>) dst(%dma_wait3A_152 : memref<64x256xf32, #tpu.memory_space<vmem>>)
        %dma_wait3A_158 = arith.constant 0 : i32
        %dma_wait3A_159 = arith.constant 0 : i32
        %dma_wait3A_160 = arith.constant 0 : i32
        %dma_wait3A_161 = arith.constant 0 : i32
        %dma_wait3A_162 = tpu.memref_slice %arg7[%dma_wait3A_160, %dma_wait3A_161] : memref<128x256xf32, #tpu.memory_space<vmem>> -> memref<64x256xf32, #tpu.memory_space<vmem>>
        %dma_wait3A_163 = arith.constant 0 : i32
        %dma_wait3A_164 = tpu.memref_slice %arg5[%dma_wait3A_158, %dma_wait3A_159, %dma_wait3A_163] : memref<50x2x64xi32, #tpu.memory_space<vmem>> -> memref<1x1x64xi32, #tpu.memory_space<vmem>>
        %dma_wait3A_165 = tpu.memref_squeeze %dma_wait3A_164 : memref<1x1x64xi32, #tpu.memory_space<vmem>> -> memref<64xi32, #tpu.memory_space<vmem>>
        %dma_wait3A_166 = arith.constant 0 : i32
        %dma_wait3A_167 = tpu.memref_slice %arg3[%dma_wait3A_166, %multiple_of3A] : memref<53228x1024xf32, #tpu.memory_space<hbm>> -> memref<53228x256xf32, #tpu.memory_space<hbm>>
        tpu.wait_indirect_dma semaphore(%arg11 : memref<!tpu.dma_semaphore, #tpu.memory_space<semaphore_mem>>) src(%dma_wait3A_167 : memref<53228x256xf32, #tpu.memory_space<hbm>>) dst(%dma_wait3A_162 : memref<64x256xf32, #tpu.memory_space<vmem>>)
        %lt3A_168 = arith.constant 24 : i32
        %lt3A_169 = arith.cmpi slt, %scan3A_83, %lt3A_168 : i32
        %convert_element_type3A_170 = arith.extui %lt3A_169 : i1 to i32
        %cond3A_171 = arith.constant 0 : i32
        %cond3A_172 = arith.cmpi ne, %convert_element_type3A_170, %cond3A_171 : i32
        scf.if %cond3A_172 {
          %add3A_194 = arith.constant 1 : i32
          %add3A_195 = arith.addi %add3A_147, %add3A_194 : i32
          %dma_start3A_196 = arith.constant 0 : i32
          %dma_start3A_197 = arith.constant 0 : i32
          %dma_start3A_198 = arith.constant 0 : i32
          %dma_start3A_199 = tpu.memref_slice %arg6[%dma_start3A_197, %dma_start3A_198] : memref<128x256xf32, #tpu.memory_space<vmem>> -> memref<64x256xf32, #tpu.memory_space<vmem>>
          %dma_start3A_200 = arith.constant 0 : i32
          %dma_start3A_201 = tpu.memref_slice %arg5[%add3A_195, %dma_start3A_196, %dma_start3A_200] : memref<50x2x64xi32, #tpu.memory_space<vmem>> -> memref<1x1x64xi32, #tpu.memory_space<vmem>>
          %dma_start3A_202 = tpu.memref_squeeze %dma_start3A_201 : memref<1x1x64xi32, #tpu.memory_space<vmem>> -> memref<64xi32, #tpu.memory_space<vmem>>
          %dma_start3A_203 = arith.constant 0 : i32
          %dma_start3A_204 = tpu.memref_slice %arg3[%dma_start3A_203, %multiple_of3A] : memref<53228x1024xf32, #tpu.memory_space<hbm>> -> memref<53228x256xf32, #tpu.memory_space<hbm>>
          tpu.enqueue_indirect_dma source(%dma_start3A_204 : memref<53228x256xf32, #tpu.memory_space<hbm>>) target(%dma_start3A_199 : memref<64x256xf32, #tpu.memory_space<vmem>>) offsets(%dma_start3A_202 : memref<64xi32, #tpu.memory_space<vmem>>) semaphore(%arg10 : memref<!tpu.dma_semaphore, #tpu.memory_space<semaphore_mem>>)
          %dma_start3A_205 = arith.constant 1 : i32
          %dma_start3A_206 = arith.constant 64 : i32
          %dma_start3A_207 = arith.constant 0 : i32
          %dma_start3A_208 = tpu.memref_slice %arg6[%dma_start3A_206, %dma_start3A_207] : memref<128x256xf32, #tpu.memory_space<vmem>> -> memref<64x256xf32, #tpu.memory_space<vmem>>
          %dma_start3A_209 = arith.constant 0 : i32
          %dma_start3A_210 = tpu.memref_slice %arg5[%add3A_195, %dma_start3A_205, %dma_start3A_209] : memref<50x2x64xi32, #tpu.memory_space<vmem>> -> memref<1x1x64xi32, #tpu.memory_space<vmem>>
          %dma_start3A_211 = tpu.memref_squeeze %dma_start3A_210 : memref<1x1x64xi32, #tpu.memory_space<vmem>> -> memref<64xi32, #tpu.memory_space<vmem>>
          %dma_start3A_212 = arith.constant 0 : i32
          %dma_start3A_213 = tpu.memref_slice %arg3[%dma_start3A_212, %multiple_of3A] : memref<53228x1024xf32, #tpu.memory_space<hbm>> -> memref<53228x256xf32, #tpu.memory_space<hbm>>
          tpu.enqueue_indirect_dma source(%dma_start3A_213 : memref<53228x256xf32, #tpu.memory_space<hbm>>) target(%dma_start3A_208 : memref<64x256xf32, #tpu.memory_space<vmem>>) offsets(%dma_start3A_211 : memref<64xi32, #tpu.memory_space<vmem>>) semaphore(%arg10 : memref<!tpu.dma_semaphore, #tpu.memory_space<semaphore_mem>>)
        } else {
        }
        %gt3A_173 = arith.constant 0 : i32
        %gt3A_174 = arith.cmpi sgt, %scan3A_51, %gt3A_173 : i32
        %gt3A_175 = arith.constant 0 : i32
        %gt3A_176 = arith.cmpi sgt, %scan3A_83, %gt3A_175 : i32
        %or3A_177 = arith.ori %gt3A_174, %gt3A_176 : i1
        %convert_element_type3A_178 = arith.extui %or3A_177 : i1 to i32
        %cond3A_179 = arith.constant 0 : i32
        %cond3A_180 = arith.cmpi ne, %convert_element_type3A_178, %cond3A_179 : i32
        scf.if %cond3A_180 {
          %dma_wait3A_194 = arith.constant 0 : i32
          %dma_wait3A_195 = arith.constant 0 : i32
          %dma_wait3A_196 = tpu.memref_slice %arg4[%dma_wait3A_194, %dma_wait3A_195, %multiple_of3A] : memref<100x1024x1024xf32, #tpu.memory_space<hbm>> -> memref<1x64x256xf32, #tpu.memory_space<hbm>>
          %dma_wait3A_197 = tpu.memref_squeeze %dma_wait3A_196 : memref<1x64x256xf32, #tpu.memory_space<hbm>> -> memref<64x256xf32, #tpu.memory_space<hbm>>
          %dma_wait3A_198 = arith.constant 0 : i32
          %dma_wait3A_199 = tpu.memref_slice %arg4[%dma_wait3A_194, %dma_wait3A_198, %multiple_of3A] : memref<100x1024x1024xf32, #tpu.memory_space<hbm>> -> memref<1x64x256xf32, #tpu.memory_space<hbm>>
          %dma_wait3A_200 = tpu.memref_squeeze %dma_wait3A_199 : memref<1x64x256xf32, #tpu.memory_space<hbm>> -> memref<64x256xf32, #tpu.memory_space<hbm>>
          tpu.wait_dma2 semaphore(%arg13 : memref<!tpu.dma_semaphore, #tpu.memory_space<semaphore_mem>>) src(%arg9 : memref<64x256xf32, #tpu.memory_space<vmem>>) dst(%dma_wait3A_200 : memref<64x256xf32, #tpu.memory_space<hbm>>)
        } else {
        }
        %parallel_loop3A_181 = arith.constant 0 : i32
        %parallel_loop3A_182 = arith.constant 64 : i32
        %parallel_loop3A_183 = arith.constant 1 : i32
        scf.for %parallel_loop3A_194 = %parallel_loop3A_181 to %parallel_loop3A_182 step %parallel_loop3A_183  : i32 {
          %parallel_loop3A_195 = arith.index_cast %parallel_loop3A_194 : i32 to index
          %parallel_loop3A_196 = arith.constant 0 : index
          %parallel_loop3A_197 = tpu.vector_load %arg7[%parallel_loop3A_195, %parallel_loop3A_196] {strides = array<i32>} : memref<128x256xf32, #tpu.memory_space<vmem>>, vector<1x16xf32>,
          %parallel_loop3A_198 = vector.shape_cast %parallel_loop3A_197 : vector<1x16xf32> to vector<16xf32>
          %parallel_loop3A_199 = arith.constant 64 : i32
          %parallel_loop3A_200 = arith.addi %parallel_loop3A_199, %parallel_loop3A_194 : i32
          %parallel_loop3A_201 = arith.index_cast %parallel_loop3A_200 : i32 to index
          %parallel_loop3A_202 = arith.constant 0 : index
          %parallel_loop3A_203 = tpu.vector_load %arg7[%parallel_loop3A_201, %parallel_loop3A_202] {strides = array<i32>} : memref<128x256xf32, #tpu.memory_space<vmem>>, vector<1x16xf32>,
          %parallel_loop3A_204 = vector.shape_cast %parallel_loop3A_203 : vector<1x16xf32> to vector<16xf32>
          %parallel_loop3A_205 = arith.addf %parallel_loop3A_198, %parallel_loop3A_204 : vector<16xf32>
          %parallel_loop3A_206 = arith.constant 5.000000e-01 : f32
          %parallel_loop3A_207 = vector.broadcast %parallel_loop3A_206 : f32 to vector<16xf32>
          %parallel_loop3A_208 = arith.mulf %parallel_loop3A_205, %parallel_loop3A_207 : vector<16xf32>
          %parallel_loop3A_209 = arith.index_cast %parallel_loop3A_194 : i32 to index
          %parallel_loop3A_210 = arith.constant 0 : index
          %parallel_loop3A_211 = tpu.vector_load %arg9[%parallel_loop3A_209, %parallel_loop3A_210] {strides = array<i32>} : memref<64x256xf32, #tpu.memory_space<vmem>>, vector<1x16xf32>,
          %parallel_loop3A_212 = vector.shape_cast %parallel_loop3A_211 : vector<1x16xf32> to vector<16xf32>
          %parallel_loop3A_213 = vector.shape_cast %parallel_loop3A_208 : vector<16xf32> to vector<1x16xf32>
          tpu.vector_store %arg9[%parallel_loop3A_209, %parallel_loop3A_210], %parallel_loop3A_213 {strides = array<i32>} : memref<64x256xf32, #tpu.memory_space<vmem>>, vector<1x16xf32>,
          %parallel_loop3A_214 = arith.index_cast %parallel_loop3A_194 : i32 to index
          %parallel_loop3A_215 = arith.constant 16 : index
          %parallel_loop3A_216 = tpu.vector_load %arg7[%parallel_loop3A_214, %parallel_loop3A_215] {strides = array<i32>} : memref<128x256xf32, #tpu.memory_space<vmem>>, vector<1x16xf32>,
          %parallel_loop3A_217 = vector.shape_cast %parallel_loop3A_216 : vector<1x16xf32> to vector<16xf32>
          %parallel_loop3A_218 = arith.constant 64 : i32
          %parallel_loop3A_219 = arith.addi %parallel_loop3A_218, %parallel_loop3A_194 : i32
          %parallel_loop3A_220 = arith.index_cast %parallel_loop3A_219 : i32 to index
          %parallel_loop3A_221 = arith.constant 16 : index
          %parallel_loop3A_222 = tpu.vector_load %arg7[%parallel_loop3A_220, %parallel_loop3A_221] {strides = array<i32>} : memref<128x256xf32, #tpu.memory_space<vmem>>, vector<1x16xf32>,
          %parallel_loop3A_223 = vector.shape_cast %parallel_loop3A_222 : vector<1x16xf32> to vector<16xf32>
          %parallel_loop3A_224 = arith.addf %parallel_loop3A_217, %parallel_loop3A_223 : vector<16xf32>
          %parallel_loop3A_225 = arith.constant 5.000000e-01 : f32
          %parallel_loop3A_226 = vector.broadcast %parallel_loop3A_225 : f32 to vector<16xf32>
          %parallel_loop3A_227 = arith.mulf %parallel_loop3A_224, %parallel_loop3A_226 : vector<16xf32>
          %parallel_loop3A_228 = arith.index_cast %parallel_loop3A_194 : i32 to index
          %parallel_loop3A_229 = arith.constant 16 : index
          %parallel_loop3A_230 = tpu.vector_load %arg9[%parallel_loop3A_228, %parallel_loop3A_229] {strides = array<i32>} : memref<64x256xf32, #tpu.memory_space<vmem>>, vector<1x16xf32>,
          %parallel_loop3A_231 = vector.shape_cast %parallel_loop3A_230 : vector<1x16xf32> to vector<16xf32>
          %parallel_loop3A_232 = vector.shape_cast %parallel_loop3A_227 : vector<16xf32> to vector<1x16xf32>
          tpu.vector_store %arg9[%parallel_loop3A_228, %parallel_loop3A_229], %parallel_loop3A_232 {strides = array<i32>} : memref<64x256xf32, #tpu.memory_space<vmem>>, vector<1x16xf32>,
          %parallel_loop3A_233 = arith.index_cast %parallel_loop3A_194 : i32 to index
          %parallel_loop3A_234 = arith.constant 32 : index
          %parallel_loop3A_235 = tpu.vector_load %arg7[%parallel_loop3A_233, %parallel_loop3A_234] {strides = array<i32>} : memref<128x256xf32, #tpu.memory_space<vmem>>, vector<1x16xf32>,
          %parallel_loop3A_236 = vector.shape_cast %parallel_loop3A_235 : vector<1x16xf32> to vector<16xf32>
          %parallel_loop3A_237 = arith.constant 64 : i32
          %parallel_loop3A_238 = arith.addi %parallel_loop3A_237, %parallel_loop3A_194 : i32
          %parallel_loop3A_239 = arith.index_cast %parallel_loop3A_238 : i32 to index
          %parallel_loop3A_240 = arith.constant 32 : index
          %parallel_loop3A_241 = tpu.vector_load %arg7[%parallel_loop3A_239, %parallel_loop3A_240] {strides = array<i32>} : memref<128x256xf32, #tpu.memory_space<vmem>>, vector<1x16xf32>,
          %parallel_loop3A_242 = vector.shape_cast %parallel_loop3A_241 : vector<1x16xf32> to vector<16xf32>
          %parallel_loop3A_243 = arith.addf %parallel_loop3A_236, %parallel_loop3A_242 : vector<16xf32>
          %parallel_loop3A_244 = arith.constant 5.000000e-01 : f32
          %parallel_loop3A_245 = vector.broadcast %parallel_loop3A_244 : f32 to vector<16xf32>
          %parallel_loop3A_246 = arith.mulf %parallel_loop3A_243, %parallel_loop3A_245 : vector<16xf32>
          %parallel_loop3A_247 = arith.index_cast %parallel_loop3A_194 : i32 to index
          %parallel_loop3A_248 = arith.constant 32 : index
          %parallel_loop3A_249 = tpu.vector_load %arg9[%parallel_loop3A_247, %parallel_loop3A_248] {strides = array<i32>} : memref<64x256xf32, #tpu.memory_space<vmem>>, vector<1x16xf32>,
          %parallel_loop3A_250 = vector.shape_cast %parallel_loop3A_249 : vector<1x16xf32> to vector<16xf32>
          %parallel_loop3A_251 = vector.shape_cast %parallel_loop3A_246 : vector<16xf32> to vector<1x16xf32>
          tpu.vector_store %arg9[%parallel_loop3A_247, %parallel_loop3A_248], %parallel_loop3A_251 {strides = array<i32>} : memref<64x256xf32, #tpu.memory_space<vmem>>, vector<1x16xf32>,
          %parallel_loop3A_252 = arith.index_cast %parallel_loop3A_194 : i32 to index
          %parallel_loop3A_253 = arith.constant 48 : index
          %parallel_loop3A_254 = tpu.vector_load %arg7[%parallel_loop3A_252, %parallel_loop3A_253] {strides = array<i32>} : memref<128x256xf32, #tpu.memory_space<vmem>>, vector<1x16xf32>,
          %parallel_loop3A_255 = vector.shape_cast %parallel_loop3A_254 : vector<1x16xf32> to vector<16xf32>
          %parallel_loop3A_256 = arith.constant 64 : i32
          %parallel_loop3A_257 = arith.addi %parallel_loop3A_256, %parallel_loop3A_194 : i32
          %parallel_loop3A_258 = arith.index_cast %parallel_loop3A_257 : i32 to index
          %parallel_loop3A_259 = arith.constant 48 : index
          %parallel_loop3A_260 = tpu.vector_load %arg7[%parallel_loop3A_258, %parallel_loop3A_259] {strides = array<i32>} : memref<128x256xf32, #tpu.memory_space<vmem>>, vector<1x16xf32>,
          %parallel_loop3A_261 = vector.shape_cast %parallel_loop3A_260 : vector<1x16xf32> to vector<16xf32>
          %parallel_loop3A_262 = arith.addf %parallel_loop3A_255, %parallel_loop3A_261 : vector<16xf32>
          %parallel_loop3A_263 = arith.constant 5.000000e-01 : f32
          %parallel_loop3A_264 = vector.broadcast %parallel_loop3A_263 : f32 to vector<16xf32>
          %parallel_loop3A_265 = arith.mulf %parallel_loop3A_262, %parallel_loop3A_264 : vector<16xf32>
          %parallel_loop3A_266 = arith.index_cast %parallel_loop3A_194 : i32 to index
          %parallel_loop3A_267 = arith.constant 48 : index
          %parallel_loop3A_268 = tpu.vector_load %arg9[%parallel_loop3A_266, %parallel_loop3A_267] {strides = array<i32>} : memref<64x256xf32, #tpu.memory_space<vmem>>, vector<1x16xf32>,
          %parallel_loop3A_269 = vector.shape_cast %parallel_loop3A_268 : vector<1x16xf32> to vector<16xf32>
          %parallel_loop3A_270 = vector.shape_cast %parallel_loop3A_265 : vector<16xf32> to vector<1x16xf32>
          tpu.vector_store %arg9[%parallel_loop3A_266, %parallel_loop3A_267], %parallel_loop3A_270 {strides = array<i32>} : memref<64x256xf32, #tpu.memory_space<vmem>>, vector<1x16xf32>,
          %parallel_loop3A_271 = arith.index_cast %parallel_loop3A_194 : i32 to index
          %parallel_loop3A_272 = arith.constant 64 : index
          %parallel_loop3A_273 = tpu.vector_load %arg7[%parallel_loop3A_271, %parallel_loop3A_272] {strides = array<i32>} : memref<128x256xf32, #tpu.memory_space<vmem>>, vector<1x16xf32>,
          %parallel_loop3A_274 = vector.shape_cast %parallel_loop3A_273 : vector<1x16xf32> to vector<16xf32>
          %parallel_loop3A_275 = arith.constant 64 : i32
          %parallel_loop3A_276 = arith.addi %parallel_loop3A_275, %parallel_loop3A_194 : i32
          %parallel_loop3A_277 = arith.index_cast %parallel_loop3A_276 : i32 to index
          %parallel_loop3A_278 = arith.constant 64 : index
          %parallel_loop3A_279 = tpu.vector_load %arg7[%parallel_loop3A_277, %parallel_loop3A_278] {strides = array<i32>} : memref<128x256xf32, #tpu.memory_space<vmem>>, vector<1x16xf32>,
          %parallel_loop3A_280 = vector.shape_cast %parallel_loop3A_279 : vector<1x16xf32> to vector<16xf32>
          %parallel_loop3A_281 = arith.addf %parallel_loop3A_274, %parallel_loop3A_280 : vector<16xf32>
          %parallel_loop3A_282 = arith.constant 5.000000e-01 : f32
          %parallel_loop3A_283 = vector.broadcast %parallel_loop3A_282 : f32 to vector<16xf32>
          %parallel_loop3A_284 = arith.mulf %parallel_loop3A_281, %parallel_loop3A_283 : vector<16xf32>
          %parallel_loop3A_285 = arith.index_cast %parallel_loop3A_194 : i32 to index
          %parallel_loop3A_286 = arith.constant 64 : index
          %parallel_loop3A_287 = tpu.vector_load %arg9[%parallel_loop3A_285, %parallel_loop3A_286] {strides = array<i32>} : memref<64x256xf32, #tpu.memory_space<vmem>>, vector<1x16xf32>,
          %parallel_loop3A_288 = vector.shape_cast %parallel_loop3A_287 : vector<1x16xf32> to vector<16xf32>
          %parallel_loop3A_289 = vector.shape_cast %parallel_loop3A_284 : vector<16xf32> to vector<1x16xf32>
          tpu.vector_store %arg9[%parallel_loop3A_285, %parallel_loop3A_286], %parallel_loop3A_289 {strides = array<i32>} : memref<64x256xf32, #tpu.memory_space<vmem>>, vector<1x16xf32>,
          %parallel_loop3A_290 = arith.index_cast %parallel_loop3A_194 : i32 to index
          %parallel_loop3A_291 = arith.constant 80 : index
          %parallel_loop3A_292 = tpu.vector_load %arg7[%parallel_loop3A_290, %parallel_loop3A_291] {strides = array<i32>} : memref<128x256xf32, #tpu.memory_space<vmem>>, vector<1x16xf32>,
          %parallel_loop3A_293 = vector.shape_cast %parallel_loop3A_292 : vector<1x16xf32> to vector<16xf32>
          %parallel_loop3A_294 = arith.constant 64 : i32
          %parallel_loop3A_295 = arith.addi %parallel_loop3A_294, %parallel_loop3A_194 : i32
          %parallel_loop3A_296 = arith.index_cast %parallel_loop3A_295 : i32 to index
          %parallel_loop3A_297 = arith.constant 80 : index
          %parallel_loop3A_298 = tpu.vector_load %arg7[%parallel_loop3A_296, %parallel_loop3A_297] {strides = array<i32>} : memref<128x256xf32, #tpu.memory_space<vmem>>, vector<1x16xf32>,
          %parallel_loop3A_299 = vector.shape_cast %parallel_loop3A_298 : vector<1x16xf32> to vector<16xf32>
          %parallel_loop3A_300 = arith.addf %parallel_loop3A_293, %parallel_loop3A_299 : vector<16xf32>
          %parallel_loop3A_301 = arith.constant 5.000000e-01 : f32
          %parallel_loop3A_302 = vector.broadcast %parallel_loop3A_301 : f32 to vector<16xf32>
          %parallel_loop3A_303 = arith.mulf %parallel_loop3A_300, %parallel_loop3A_302 : vector<16xf32>
          %parallel_loop3A_304 = arith.index_cast %parallel_loop3A_194 : i32 to index
          %parallel_loop3A_305 = arith.constant 80 : index
          %parallel_loop3A_306 = tpu.vector_load %arg9[%parallel_loop3A_304, %parallel_loop3A_305] {strides = array<i32>} : memref<64x256xf32, #tpu.memory_space<vmem>>, vector<1x16xf32>,
          %parallel_loop3A_307 = vector.shape_cast %parallel_loop3A_306 : vector<1x16xf32> to vector<16xf32>
          %parallel_loop3A_308 = vector.shape_cast %parallel_loop3A_303 : vector<16xf32> to vector<1x16xf32>
          tpu.vector_store %arg9[%parallel_loop3A_304, %parallel_loop3A_305], %parallel_loop3A_308 {strides = array<i32>} : memref<64x256xf32, #tpu.memory_space<vmem>>, vector<1x16xf32>,
          %parallel_loop3A_309 = arith.index_cast %parallel_loop3A_194 : i32 to index
          %parallel_loop3A_310 = arith.constant 96 : index
          %parallel_loop3A_311 = tpu.vector_load %arg7[%parallel_loop3A_309, %parallel_loop3A_310] {strides = array<i32>} : memref<128x256xf32, #tpu.memory_space<vmem>>, vector<1x16xf32>,
          %parallel_loop3A_312 = vector.shape_cast %parallel_loop3A_311 : vector<1x16xf32> to vector<16xf32>
          %parallel_loop3A_313 = arith.constant 64 : i32
          %parallel_loop3A_314 = arith.addi %parallel_loop3A_313, %parallel_loop3A_194 : i32
          %parallel_loop3A_315 = arith.index_cast %parallel_loop3A_314 : i32 to index
          %parallel_loop3A_316 = arith.constant 96 : index
          %parallel_loop3A_317 = tpu.vector_load %arg7[%parallel_loop3A_315, %parallel_loop3A_316] {strides = array<i32>} : memref<128x256xf32, #tpu.memory_space<vmem>>, vector<1x16xf32>,
          %parallel_loop3A_318 = vector.shape_cast %parallel_loop3A_317 : vector<1x16xf32> to vector<16xf32>
          %parallel_loop3A_319 = arith.addf %parallel_loop3A_312, %parallel_loop3A_318 : vector<16xf32>
          %parallel_loop3A_320 = arith.constant 5.000000e-01 : f32
          %parallel_loop3A_321 = vector.broadcast %parallel_loop3A_320 : f32 to vector<16xf32>
          %parallel_loop3A_322 = arith.mulf %parallel_loop3A_319, %parallel_loop3A_321 : vector<16xf32>
          %parallel_loop3A_323 = arith.index_cast %parallel_loop3A_194 : i32 to index
          %parallel_loop3A_324 = arith.constant 96 : index
          %parallel_loop3A_325 = tpu.vector_load %arg9[%parallel_loop3A_323, %parallel_loop3A_324] {strides = array<i32>} : memref<64x256xf32, #tpu.memory_space<vmem>>, vector<1x16xf32>,
          %parallel_loop3A_326 = vector.shape_cast %parallel_loop3A_325 : vector<1x16xf32> to vector<16xf32>
          %parallel_loop3A_327 = vector.shape_cast %parallel_loop3A_322 : vector<16xf32> to vector<1x16xf32>
          tpu.vector_store %arg9[%parallel_loop3A_323, %parallel_loop3A_324], %parallel_loop3A_327 {strides = array<i32>} : memref<64x256xf32, #tpu.memory_space<vmem>>, vector<1x16xf32>,
          %parallel_loop3A_328 = arith.index_cast %parallel_loop3A_194 : i32 to index
          %parallel_loop3A_329 = arith.constant 112 : index
          %parallel_loop3A_330 = tpu.vector_load %arg7[%parallel_loop3A_328, %parallel_loop3A_329] {strides = array<i32>} : memref<128x256xf32, #tpu.memory_space<vmem>>, vector<1x16xf32>,
          %parallel_loop3A_331 = vector.shape_cast %parallel_loop3A_330 : vector<1x16xf32> to vector<16xf32>
          %parallel_loop3A_332 = arith.constant 64 : i32
          %parallel_loop3A_333 = arith.addi %parallel_loop3A_332, %parallel_loop3A_194 : i32
          %parallel_loop3A_334 = arith.index_cast %parallel_loop3A_333 : i32 to index
          %parallel_loop3A_335 = arith.constant 112 : index
          %parallel_loop3A_336 = tpu.vector_load %arg7[%parallel_loop3A_334, %parallel_loop3A_335] {strides = array<i32>} : memref<128x256xf32, #tpu.memory_space<vmem>>, vector<1x16xf32>,
          %parallel_loop3A_337 = vector.shape_cast %parallel_loop3A_336 : vector<1x16xf32> to vector<16xf32>
          %parallel_loop3A_338 = arith.addf %parallel_loop3A_331, %parallel_loop3A_337 : vector<16xf32>
          %parallel_loop3A_339 = arith.constant 5.000000e-01 : f32
          %parallel_loop3A_340 = vector.broadcast %parallel_loop3A_339 : f32 to vector<16xf32>
          %parallel_loop3A_341 = arith.mulf %parallel_loop3A_338, %parallel_loop3A_340 : vector<16xf32>
          %parallel_loop3A_342 = arith.index_cast %parallel_loop3A_194 : i32 to index
          %parallel_loop3A_343 = arith.constant 112 : index
          %parallel_loop3A_344 = tpu.vector_load %arg9[%parallel_loop3A_342, %parallel_loop3A_343] {strides = array<i32>} : memref<64x256xf32, #tpu.memory_space<vmem>>, vector<1x16xf32>,
          %parallel_loop3A_345 = vector.shape_cast %parallel_loop3A_344 : vector<1x16xf32> to vector<16xf32>
          %parallel_loop3A_346 = vector.shape_cast %parallel_loop3A_341 : vector<16xf32> to vector<1x16xf32>
          tpu.vector_store %arg9[%parallel_loop3A_342, %parallel_loop3A_343], %parallel_loop3A_346 {strides = array<i32>} : memref<64x256xf32, #tpu.memory_space<vmem>>, vector<1x16xf32>,
          %parallel_loop3A_347 = arith.index_cast %parallel_loop3A_194 : i32 to index
          %parallel_loop3A_348 = arith.constant 128 : index
          %parallel_loop3A_349 = tpu.vector_load %arg7[%parallel_loop3A_347, %parallel_loop3A_348] {strides = array<i32>} : memref<128x256xf32, #tpu.memory_space<vmem>>, vector<1x16xf32>,
          %parallel_loop3A_350 = vector.shape_cast %parallel_loop3A_349 : vector<1x16xf32> to vector<16xf32>
          %parallel_loop3A_351 = arith.constant 64 : i32
          %parallel_loop3A_352 = arith.addi %parallel_loop3A_351, %parallel_loop3A_194 : i32
          %parallel_loop3A_353 = arith.index_cast %parallel_loop3A_352 : i32 to index
          %parallel_loop3A_354 = arith.constant 128 : index
          %parallel_loop3A_355 = tpu.vector_load %arg7[%parallel_loop3A_353, %parallel_loop3A_354] {strides = array<i32>} : memref<128x256xf32, #tpu.memory_space<vmem>>, vector<1x16xf32>,
          %parallel_loop3A_356 = vector.shape_cast %parallel_loop3A_355 : vector<1x16xf32> to vector<16xf32>
          %parallel_loop3A_357 = arith.addf %parallel_loop3A_350, %parallel_loop3A_356 : vector<16xf32>
          %parallel_loop3A_358 = arith.constant 5.000000e-01 : f32
          %parallel_loop3A_359 = vector.broadcast %parallel_loop3A_358 : f32 to vector<16xf32>
          %parallel_loop3A_360 = arith.mulf %parallel_loop3A_357, %parallel_loop3A_359 : vector<16xf32>
          %parallel_loop3A_361 = arith.index_cast %parallel_loop3A_194 : i32 to index
          %parallel_loop3A_362 = arith.constant 128 : index
          %parallel_loop3A_363 = tpu.vector_load %arg9[%parallel_loop3A_361, %parallel_loop3A_362] {strides = array<i32>} : memref<64x256xf32, #tpu.memory_space<vmem>>, vector<1x16xf32>,
          %parallel_loop3A_364 = vector.shape_cast %parallel_loop3A_363 : vector<1x16xf32> to vector<16xf32>
          %parallel_loop3A_365 = vector.shape_cast %parallel_loop3A_360 : vector<16xf32> to vector<1x16xf32>
          tpu.vector_store %arg9[%parallel_loop3A_361, %parallel_loop3A_362], %parallel_loop3A_365 {strides = array<i32>} : memref<64x256xf32, #tpu.memory_space<vmem>>, vector<1x16xf32>,
          %parallel_loop3A_366 = arith.index_cast %parallel_loop3A_194 : i32 to index
          %parallel_loop3A_367 = arith.constant 144 : index
          %parallel_loop3A_368 = tpu.vector_load %arg7[%parallel_loop3A_366, %parallel_loop3A_367] {strides = array<i32>} : memref<128x256xf32, #tpu.memory_space<vmem>>, vector<1x16xf32>,
          %parallel_loop3A_369 = vector.shape_cast %parallel_loop3A_368 : vector<1x16xf32> to vector<16xf32>
          %parallel_loop3A_370 = arith.constant 64 : i32
          %parallel_loop3A_371 = arith.addi %parallel_loop3A_370, %parallel_loop3A_194 : i32
          %parallel_loop3A_372 = arith.index_cast %parallel_loop3A_371 : i32 to index
          %parallel_loop3A_373 = arith.constant 144 : index
          %parallel_loop3A_374 = tpu.vector_load %arg7[%parallel_loop3A_372, %parallel_loop3A_373] {strides = array<i32>} : memref<128x256xf32, #tpu.memory_space<vmem>>, vector<1x16xf32>,
          %parallel_loop3A_375 = vector.shape_cast %parallel_loop3A_374 : vector<1x16xf32> to vector<16xf32>
          %parallel_loop3A_376 = arith.addf %parallel_loop3A_369, %parallel_loop3A_375 : vector<16xf32>
          %parallel_loop3A_377 = arith.constant 5.000000e-01 : f32
          %parallel_loop3A_378 = vector.broadcast %parallel_loop3A_377 : f32 to vector<16xf32>
          %parallel_loop3A_379 = arith.mulf %parallel_loop3A_376, %parallel_loop3A_378 : vector<16xf32>
          %parallel_loop3A_380 = arith.index_cast %parallel_loop3A_194 : i32 to index
          %parallel_loop3A_381 = arith.constant 144 : index
          %parallel_loop3A_382 = tpu.vector_load %arg9[%parallel_loop3A_380, %parallel_loop3A_381] {strides = array<i32>} : memref<64x256xf32, #tpu.memory_space<vmem>>, vector<1x16xf32>,
          %parallel_loop3A_383 = vector.shape_cast %parallel_loop3A_382 : vector<1x16xf32> to vector<16xf32>
          %parallel_loop3A_384 = vector.shape_cast %parallel_loop3A_379 : vector<16xf32> to vector<1x16xf32>
          tpu.vector_store %arg9[%parallel_loop3A_380, %parallel_loop3A_381], %parallel_loop3A_384 {strides = array<i32>} : memref<64x256xf32, #tpu.memory_space<vmem>>, vector<1x16xf32>,
          %parallel_loop3A_385 = arith.index_cast %parallel_loop3A_194 : i32 to index
          %parallel_loop3A_386 = arith.constant 160 : index
          %parallel_loop3A_387 = tpu.vector_load %arg7[%parallel_loop3A_385, %parallel_loop3A_386] {strides = array<i32>} : memref<128x256xf32, #tpu.memory_space<vmem>>, vector<1x16xf32>,
          %parallel_loop3A_388 = vector.shape_cast %parallel_loop3A_387 : vector<1x16xf32> to vector<16xf32>
          %parallel_loop3A_389 = arith.constant 64 : i32
          %parallel_loop3A_390 = arith.addi %parallel_loop3A_389, %parallel_loop3A_194 : i32
          %parallel_loop3A_391 = arith.index_cast %parallel_loop3A_390 : i32 to index
          %parallel_loop3A_392 = arith.constant 160 : index
          %parallel_loop3A_393 = tpu.vector_load %arg7[%parallel_loop3A_391, %parallel_loop3A_392] {strides = array<i32>} : memref<128x256xf32, #tpu.memory_space<vmem>>, vector<1x16xf32>,
          %parallel_loop3A_394 = vector.shape_cast %parallel_loop3A_393 : vector<1x16xf32> to vector<16xf32>
          %parallel_loop3A_395 = arith.addf %parallel_loop3A_388, %parallel_loop3A_394 : vector<16xf32>
          %parallel_loop3A_396 = arith.constant 5.000000e-01 : f32
          %parallel_loop3A_397 = vector.broadcast %parallel_loop3A_396 : f32 to vector<16xf32>
          %parallel_loop3A_398 = arith.mulf %parallel_loop3A_395, %parallel_loop3A_397 : vector<16xf32>
          %parallel_loop3A_399 = arith.index_cast %parallel_loop3A_194 : i32 to index
          %parallel_loop3A_400 = arith.constant 160 : index
          %parallel_loop3A_401 = tpu.vector_load %arg9[%parallel_loop3A_399, %parallel_loop3A_400] {strides = array<i32>} : memref<64x256xf32, #tpu.memory_space<vmem>>, vector<1x16xf32>,
          %parallel_loop3A_402 = vector.shape_cast %parallel_loop3A_401 : vector<1x16xf32> to vector<16xf32>
          %parallel_loop3A_403 = vector.shape_cast %parallel_loop3A_398 : vector<16xf32> to vector<1x16xf32>
          tpu.vector_store %arg9[%parallel_loop3A_399, %parallel_loop3A_400], %parallel_loop3A_403 {strides = array<i32>} : memref<64x256xf32, #tpu.memory_space<vmem>>, vector<1x16xf32>,
          %parallel_loop3A_404 = arith.index_cast %parallel_loop3A_194 : i32 to index
          %parallel_loop3A_405 = arith.constant 176 : index
          %parallel_loop3A_406 = tpu.vector_load %arg7[%parallel_loop3A_404, %parallel_loop3A_405] {strides = array<i32>} : memref<128x256xf32, #tpu.memory_space<vmem>>, vector<1x16xf32>,
          %parallel_loop3A_407 = vector.shape_cast %parallel_loop3A_406 : vector<1x16xf32> to vector<16xf32>
          %parallel_loop3A_408 = arith.constant 64 : i32
          %parallel_loop3A_409 = arith.addi %parallel_loop3A_408, %parallel_loop3A_194 : i32
          %parallel_loop3A_410 = arith.index_cast %parallel_loop3A_409 : i32 to index
          %parallel_loop3A_411 = arith.constant 176 : index
          %parallel_loop3A_412 = tpu.vector_load %arg7[%parallel_loop3A_410, %parallel_loop3A_411] {strides = array<i32>} : memref<128x256xf32, #tpu.memory_space<vmem>>, vector<1x16xf32>,
          %parallel_loop3A_413 = vector.shape_cast %parallel_loop3A_412 : vector<1x16xf32> to vector<16xf32>
          %parallel_loop3A_414 = arith.addf %parallel_loop3A_407, %parallel_loop3A_413 : vector<16xf32>
          %parallel_loop3A_415 = arith.constant 5.000000e-01 : f32
          %parallel_loop3A_416 = vector.broadcast %parallel_loop3A_415 : f32 to vector<16xf32>
          %parallel_loop3A_417 = arith.mulf %parallel_loop3A_414, %parallel_loop3A_416 : vector<16xf32>
          %parallel_loop3A_418 = arith.index_cast %parallel_loop3A_194 : i32 to index
          %parallel_loop3A_419 = arith.constant 176 : index
          %parallel_loop3A_420 = tpu.vector_load %arg9[%parallel_loop3A_418, %parallel_loop3A_419] {strides = array<i32>} : memref<64x256xf32, #tpu.memory_space<vmem>>, vector<1x16xf32>,
          %parallel_loop3A_421 = vector.shape_cast %parallel_loop3A_420 : vector<1x16xf32> to vector<16xf32>
          %parallel_loop3A_422 = vector.shape_cast %parallel_loop3A_417 : vector<16xf32> to vector<1x16xf32>
          tpu.vector_store %arg9[%parallel_loop3A_418, %parallel_loop3A_419], %parallel_loop3A_422 {strides = array<i32>} : memref<64x256xf32, #tpu.memory_space<vmem>>, vector<1x16xf32>,
          %parallel_loop3A_423 = arith.index_cast %parallel_loop3A_194 : i32 to index
          %parallel_loop3A_424 = arith.constant 192 : index
          %parallel_loop3A_425 = tpu.vector_load %arg7[%parallel_loop3A_423, %parallel_loop3A_424] {strides = array<i32>} : memref<128x256xf32, #tpu.memory_space<vmem>>, vector<1x16xf32>,
          %parallel_loop3A_426 = vector.shape_cast %parallel_loop3A_425 : vector<1x16xf32> to vector<16xf32>
          %parallel_loop3A_427 = arith.constant 64 : i32
          %parallel_loop3A_428 = arith.addi %parallel_loop3A_427, %parallel_loop3A_194 : i32
          %parallel_loop3A_429 = arith.index_cast %parallel_loop3A_428 : i32 to index
          %parallel_loop3A_430 = arith.constant 192 : index
          %parallel_loop3A_431 = tpu.vector_load %arg7[%parallel_loop3A_429, %parallel_loop3A_430] {strides = array<i32>} : memref<128x256xf32, #tpu.memory_space<vmem>>, vector<1x16xf32>,
          %parallel_loop3A_432 = vector.shape_cast %parallel_loop3A_431 : vector<1x16xf32> to vector<16xf32>
          %parallel_loop3A_433 = arith.addf %parallel_loop3A_426, %parallel_loop3A_432 : vector<16xf32>
          %parallel_loop3A_434 = arith.constant 5.000000e-01 : f32
          %parallel_loop3A_435 = vector.broadcast %parallel_loop3A_434 : f32 to vector<16xf32>
          %parallel_loop3A_436 = arith.mulf %parallel_loop3A_433, %parallel_loop3A_435 : vector<16xf32>
          %parallel_loop3A_437 = arith.index_cast %parallel_loop3A_194 : i32 to index
          %parallel_loop3A_438 = arith.constant 192 : index
          %parallel_loop3A_439 = tpu.vector_load %arg9[%parallel_loop3A_437, %parallel_loop3A_438] {strides = array<i32>} : memref<64x256xf32, #tpu.memory_space<vmem>>, vector<1x16xf32>,
          %parallel_loop3A_440 = vector.shape_cast %parallel_loop3A_439 : vector<1x16xf32> to vector<16xf32>
          %parallel_loop3A_441 = vector.shape_cast %parallel_loop3A_436 : vector<16xf32> to vector<1x16xf32>
          tpu.vector_store %arg9[%parallel_loop3A_437, %parallel_loop3A_438], %parallel_loop3A_441 {strides = array<i32>} : memref<64x256xf32, #tpu.memory_space<vmem>>, vector<1x16xf32>,
          %parallel_loop3A_442 = arith.index_cast %parallel_loop3A_194 : i32 to index
          %parallel_loop3A_443 = arith.constant 208 : index
          %parallel_loop3A_444 = tpu.vector_load %arg7[%parallel_loop3A_442, %parallel_loop3A_443] {strides = array<i32>} : memref<128x256xf32, #tpu.memory_space<vmem>>, vector<1x16xf32>,
          %parallel_loop3A_445 = vector.shape_cast %parallel_loop3A_444 : vector<1x16xf32> to vector<16xf32>
          %parallel_loop3A_446 = arith.constant 64 : i32
          %parallel_loop3A_447 = arith.addi %parallel_loop3A_446, %parallel_loop3A_194 : i32
          %parallel_loop3A_448 = arith.index_cast %parallel_loop3A_447 : i32 to index
          %parallel_loop3A_449 = arith.constant 208 : index
          %parallel_loop3A_450 = tpu.vector_load %arg7[%parallel_loop3A_448, %parallel_loop3A_449] {strides = array<i32>} : memref<128x256xf32, #tpu.memory_space<vmem>>, vector<1x16xf32>,
          %parallel_loop3A_451 = vector.shape_cast %parallel_loop3A_450 : vector<1x16xf32> to vector<16xf32>
          %parallel_loop3A_452 = arith.addf %parallel_loop3A_445, %parallel_loop3A_451 : vector<16xf32>
          %parallel_loop3A_453 = arith.constant 5.000000e-01 : f32
          %parallel_loop3A_454 = vector.broadcast %parallel_loop3A_453 : f32 to vector<16xf32>
          %parallel_loop3A_455 = arith.mulf %parallel_loop3A_452, %parallel_loop3A_454 : vector<16xf32>
          %parallel_loop3A_456 = arith.index_cast %parallel_loop3A_194 : i32 to index
          %parallel_loop3A_457 = arith.constant 208 : index
          %parallel_loop3A_458 = tpu.vector_load %arg9[%parallel_loop3A_456, %parallel_loop3A_457] {strides = array<i32>} : memref<64x256xf32, #tpu.memory_space<vmem>>, vector<1x16xf32>,
          %parallel_loop3A_459 = vector.shape_cast %parallel_loop3A_458 : vector<1x16xf32> to vector<16xf32>
          %parallel_loop3A_460 = vector.shape_cast %parallel_loop3A_455 : vector<16xf32> to vector<1x16xf32>
          tpu.vector_store %arg9[%parallel_loop3A_456, %parallel_loop3A_457], %parallel_loop3A_460 {strides = array<i32>} : memref<64x256xf32, #tpu.memory_space<vmem>>, vector<1x16xf32>,
          %parallel_loop3A_461 = arith.index_cast %parallel_loop3A_194 : i32 to index
          %parallel_loop3A_462 = arith.constant 224 : index
          %parallel_loop3A_463 = tpu.vector_load %arg7[%parallel_loop3A_461, %parallel_loop3A_462] {strides = array<i32>} : memref<128x256xf32, #tpu.memory_space<vmem>>, vector<1x16xf32>,
          %parallel_loop3A_464 = vector.shape_cast %parallel_loop3A_463 : vector<1x16xf32> to vector<16xf32>
          %parallel_loop3A_465 = arith.constant 64 : i32
          %parallel_loop3A_466 = arith.addi %parallel_loop3A_465, %parallel_loop3A_194 : i32
          %parallel_loop3A_467 = arith.index_cast %parallel_loop3A_466 : i32 to index
          %parallel_loop3A_468 = arith.constant 224 : index
          %parallel_loop3A_469 = tpu.vector_load %arg7[%parallel_loop3A_467, %parallel_loop3A_468] {strides = array<i32>} : memref<128x256xf32, #tpu.memory_space<vmem>>, vector<1x16xf32>,
          %parallel_loop3A_470 = vector.shape_cast %parallel_loop3A_469 : vector<1x16xf32> to vector<16xf32>
          %parallel_loop3A_471 = arith.addf %parallel_loop3A_464, %parallel_loop3A_470 : vector<16xf32>
          %parallel_loop3A_472 = arith.constant 5.000000e-01 : f32
          %parallel_loop3A_473 = vector.broadcast %parallel_loop3A_472 : f32 to vector<16xf32>
          %parallel_loop3A_474 = arith.mulf %parallel_loop3A_471, %parallel_loop3A_473 : vector<16xf32>
          %parallel_loop3A_475 = arith.index_cast %parallel_loop3A_194 : i32 to index
          %parallel_loop3A_476 = arith.constant 224 : index
          %parallel_loop3A_477 = tpu.vector_load %arg9[%parallel_loop3A_475, %parallel_loop3A_476] {strides = array<i32>} : memref<64x256xf32, #tpu.memory_space<vmem>>, vector<1x16xf32>,
          %parallel_loop3A_478 = vector.shape_cast %parallel_loop3A_477 : vector<1x16xf32> to vector<16xf32>
          %parallel_loop3A_479 = vector.shape_cast %parallel_loop3A_474 : vector<16xf32> to vector<1x16xf32>
          tpu.vector_store %arg9[%parallel_loop3A_475, %parallel_loop3A_476], %parallel_loop3A_479 {strides = array<i32>} : memref<64x256xf32, #tpu.memory_space<vmem>>, vector<1x16xf32>,
          %parallel_loop3A_480 = arith.index_cast %parallel_loop3A_194 : i32 to index
          %parallel_loop3A_481 = arith.constant 240 : index
          %parallel_loop3A_482 = tpu.vector_load %arg7[%parallel_loop3A_480, %parallel_loop3A_481] {strides = array<i32>} : memref<128x256xf32, #tpu.memory_space<vmem>>, vector<1x16xf32>,
          %parallel_loop3A_483 = vector.shape_cast %parallel_loop3A_482 : vector<1x16xf32> to vector<16xf32>
          %parallel_loop3A_484 = arith.constant 64 : i32
          %parallel_loop3A_485 = arith.addi %parallel_loop3A_484, %parallel_loop3A_194 : i32
          %parallel_loop3A_486 = arith.index_cast %parallel_loop3A_485 : i32 to index
          %parallel_loop3A_487 = arith.constant 240 : index
          %parallel_loop3A_488 = tpu.vector_load %arg7[%parallel_loop3A_486, %parallel_loop3A_487] {strides = array<i32>} : memref<128x256xf32, #tpu.memory_space<vmem>>, vector<1x16xf32>,
          %parallel_loop3A_489 = vector.shape_cast %parallel_loop3A_488 : vector<1x16xf32> to vector<16xf32>
          %parallel_loop3A_490 = arith.addf %parallel_loop3A_483, %parallel_loop3A_489 : vector<16xf32>
          %parallel_loop3A_491 = arith.constant 5.000000e-01 : f32
          %parallel_loop3A_492 = vector.broadcast %parallel_loop3A_491 : f32 to vector<16xf32>
          %parallel_loop3A_493 = arith.mulf %parallel_loop3A_490, %parallel_loop3A_492 : vector<16xf32>
          %parallel_loop3A_494 = arith.index_cast %parallel_loop3A_194 : i32 to index
          %parallel_loop3A_495 = arith.constant 240 : index
          %parallel_loop3A_496 = tpu.vector_load %arg9[%parallel_loop3A_494, %parallel_loop3A_495] {strides = array<i32>} : memref<64x256xf32, #tpu.memory_space<vmem>>, vector<1x16xf32>,
          %parallel_loop3A_497 = vector.shape_cast %parallel_loop3A_496 : vector<1x16xf32> to vector<16xf32>
          %parallel_loop3A_498 = vector.shape_cast %parallel_loop3A_493 : vector<16xf32> to vector<1x16xf32>
          tpu.vector_store %arg9[%parallel_loop3A_494, %parallel_loop3A_495], %parallel_loop3A_498 {strides = array<i32>} : memref<64x256xf32, #tpu.memory_space<vmem>>, vector<1x16xf32>,
        } {sc.loop_unroll_factor = 2 : i64, sc.parallel_access}
        %mul3A_184 = arith.constant 50 : i32
        %mul3A_185 = arith.muli %and3A_57, %mul3A_184 : i32
        %add3A_186 = arith.addi %mul3A_185, %add3A_147 : i32
        %mul3A_187 = arith.constant 64 : i32
        %mul3A_188 = arith.muli %add3A_55, %mul3A_187 : i32
        %multiple_of3A_189 = tpu.assume_multiple %mul3A_188, 64 : i32
        %dma_start3A_190 = tpu.memref_slice %arg4[%add3A_186, %multiple_of3A_189, %multiple_of3A] : memref<100x1024x1024xf32, #tpu.memory_space<hbm>> -> memref<1x64x256xf32, #tpu.memory_space<hbm>>
        %dma_start3A_191 = tpu.memref_squeeze %dma_start3A_190 : memref<1x64x256xf32, #tpu.memory_space<hbm>> -> memref<64x256xf32, #tpu.memory_space<hbm>>
        %dma_start3A_192 = tpu.memref_slice %arg4[%add3A_186, %multiple_of3A_189, %multiple_of3A] : memref<100x1024x1024xf32, #tpu.memory_space<hbm>> -> memref<1x64x256xf32, #tpu.memory_space<hbm>>
        %dma_start3A_193 = tpu.memref_squeeze %dma_start3A_192 : memref<1x64x256xf32, #tpu.memory_space<hbm>> -> memref<64x256xf32, #tpu.memory_space<hbm>>
        tpu.enqueue_dma source(%arg9 : memref<64x256xf32, #tpu.memory_space<vmem>>) target(%dma_start3A_193 : memref<64x256xf32, #tpu.memory_space<hbm>>) target_semaphore(%arg13 : memref<!tpu.dma_semaphore, #tpu.memory_space<semaphore_mem>>)
      }
      %scan3A_82 = arith.constant 25 : i32
    }
    %scan3A_37 = arith.constant 4 : i32
    %dma_wait3A = arith.constant 0 : i32
    %dma_wait3A_38 = arith.constant 0 : i32
    %dma_wait3A_39 = tpu.memref_slice %arg4[%dma_wait3A, %dma_wait3A_38, %multiple_of3A] : memref<100x1024x1024xf32, #tpu.memory_space<hbm>> -> memref<1x64x256xf32, #tpu.memory_space<hbm>>
    %dma_wait3A_40 = tpu.memref_squeeze %dma_wait3A_39 : memref<1x64x256xf32, #tpu.memory_space<hbm>> -> memref<64x256xf32, #tpu.memory_space<hbm>>
    %dma_wait3A_41 = arith.constant 0 : i32
    %dma_wait3A_42 = tpu.memref_slice %arg4[%dma_wait3A, %dma_wait3A_41, %multiple_of3A] : memref<100x1024x1024xf32, #tpu.memory_space<hbm>> -> memref<1x64x256xf32, #tpu.memory_space<hbm>>
    %dma_wait3A_43 = tpu.memref_squeeze %dma_wait3A_42 : memref<1x64x256xf32, #tpu.memory_space<hbm>> -> memref<64x256xf32, #tpu.memory_space<hbm>>
    tpu.wait_dma2 semaphore(%arg12 : memref<!tpu.dma_semaphore, #tpu.memory_space<semaphore_mem>>) src(%arg8 : memref<64x256xf32, #tpu.memory_space<vmem>>) dst(%dma_wait3A_43 : memref<64x256xf32, #tpu.memory_space<hbm>>)
    %dma_wait3A_44 = arith.constant 0 : i32
    %dma_wait3A_45 = arith.constant 0 : i32
    %dma_wait3A_46 = tpu.memref_slice %arg4[%dma_wait3A_44, %dma_wait3A_45, %multiple_of3A] : memref<100x1024x1024xf32, #tpu.memory_space<hbm>> -> memref<1x64x256xf32, #tpu.memory_space<hbm>>
    %dma_wait3A_47 = tpu.memref_squeeze %dma_wait3A_46 : memref<1x64x256xf32, #tpu.memory_space<hbm>> -> memref<64x256xf32, #tpu.memory_space<hbm>>
    %dma_wait3A_48 = arith.constant 0 : i32
    %dma_wait3A_49 = tpu.memref_slice %arg4[%dma_wait3A_44, %dma_wait3A_48, %multiple_of3A] : memref<100x1024x1024xf32, #tpu.memory_space<hbm>> -> memref<1x64x256xf32, #tpu.memory_space<hbm>>
    %dma_wait3A_50 = tpu.memref_squeeze %dma_wait3A_49 : memref<1x64x256xf32, #tpu.memory_space<hbm>> -> memref<64x256xf32, #tpu.memory_space<hbm>>
    tpu.wait_dma2 semaphore(%arg13 : memref<!tpu.dma_semaphore, #tpu.memory_space<semaphore_mem>>) src(%arg9 : memref<64x256xf32, #tpu.memory_space<vmem>>) dst(%dma_wait3A_50 : memref<64x256xf32, #tpu.memory_space<hbm>>)
    return
  }
}

</mosaic_0001>

<sc_bundles>
// kernel: kernel.3.cloned.1.call-start
scs
__scs_entry_jumppad:
0x0: {  	(pc) =	sbr.rel $0x88, $3  }
0x1: {  	(tag) =	ssettag $0x0;
	lr =	simm.s32 $0x1  }
0x2: {  	[smem:$0x3F9F] =	sst lr;
	_ =	strace $0xD0000000  }
0x3: {  	_ = 	snop  }
0x4: {  	_ = 	snop  }
0x5: {  	_ = 	snop  }
0x6: {  	_ = 	snop  }
0x7: {  	_ = 	snop  }
__scs_overlays_trampoline_lowered:
0x8: {  	[smem:$0x3FAE] =	sst s0  }
0x9: {  	[smem:$0x3FAF] =	sst s1  }
0xa: {  	[smem:$0x3FB0] =	sst s2  }
0xb: {  	[smem:$0x3FB1] =	sst s3  }
0xc: {  	[smem:$0x3FB2] =	sst s4  }
0xd: {  	[smem:$0x3FB3] =	sst s5  }
0xe: {  	[smem:$0x3FB4] =	sst s6  }
0xf: {  	[smem:$0x3FB5] =	sst s7  }
0x10: {  	[smem:$0x3FB6] =	sst s8  }
0x11: {  	[smem:$0x3FB7] =	sst s9;
	s0 =	simm.s32 @!p0 $0x0  }
0x12: {  	s1 =	sld [smem:$0x3F9D];
	s0 =	simm.s32 @p0 $0x1  }
0x13: {  	[smem:$0x3FB8] =	sst s0;
	s0 =	simm.s32 @!p1 $0x0  }
0x14: {  	s2 =	sld [smem:$0x3F9C];
	s0 =	simm.s32 @p1 $0x1  }
0x15: {  	[smem:$0x3FB9] =	sst s0;
	s0 =	simm.s32 @!p2 $0x0  }
0x16: {  	s3 =	sld [smem:$0x3FDB];
	s0 =	simm.s32 @p2 $0x1  }
0x17: {  	s4 =	simm.s32 $0x1BF5;
	[smem:$0x3FBB] =	sst s0  }
0x18: {  	s0 =	sld [smem:$0x3F9E];
	_ =	swait.ge [sflag:s4], $0x0  }
0x19: {  	s7 =	sld [smem:$0x3F9F]  }
0x1a: {  	s8 =	sadd.s32 $0xFFFFE003, lr  }
0x1b: {  	s9 =	sadd.s32 $0xFFFFFEF7, lr;
	s5 =	simm.s32 $0xFFFFFFFF;
	p2 =	slt.u32 s8, $0xFFFFF086  }
0x1c: {  	p1 =	slt.u32 s9, $0xF7A;
	s5 =	simm.s32 @!p2 $0x0  }
0x1d: {  	s5 =	simm.s32 @p1 $0x1;
	p0 =	seq.s32 s7, s2  }
0x1e: {  	s7 =	smul.u32 @!p0 $0xF7A, s2;
	p2 =	seq.s32 @!p0 s5, $0x0  }
0x1f: {  	s9 =	smul.u32 $0xF7A, s1;
	s8 =	simm.s32 @!p0 $0x1BF5;
	p2 =	por !p2, p0  }
0x20: {  	[sflag:s8] =	ssyncset.s32 @!p0 $0xFFFFF086;
	s6 =	sadd.s32 @!p0 s3, s7;
	s7 =	simm.s32 @!p0 $0x108  }
0x21: {  	s3 =	sadd.s32 s3, s9;
	s6 =	sadd.s32 @!p0 $0x88, s6;
	s7 =	simm.s32 @p2 $0x1082  }
0x22: {  	[simem:s7], [sflag:s8] =	dma.local @!p0 [hbm:s6], $0xF7A  }
0x23: {  	s9 =	sor.u32 $0xD0000000, s2;
	s6 =	simm.s32 $0x108;
	_ =	swait.ge @!p0 [sflag:s8], $0x0  }
0x24: {  	s3 =	sadd.s32 $0x88, s3;
	s6 =	simm.s32 @!p1 $0x1082;
	[sflag:s4] =	ssyncset.s32 $0xFFFFF086  }
0x25: {  	[simem:s6], [sflag:s4] =	dma.local [hbm:s3], $0xF7A  }
0x26: {  	[smem:$0x3F9F] =	sst s1;
	(tag) =	ssettag s2;
	_ =	strace s9  }
0x27: {  	s1 =	sld [smem:$0x3FAF]  }
0x28: {  	s2 =	sld [smem:$0x3FB0]  }
0x29: {  	s4 =	sld [smem:$0x3FB2]  }
0x2a: {  	p0 =	seq.s32 s5, $0x0;
	s5 =	sld [smem:$0x3FB3]  }
0x2b: {  	s6 =	sld [smem:$0x3FB4]  }
0x2c: {  	s7 =	sld [smem:$0x3FB5]  }
0x2d: {  	s3 =	simm.s32 $0x108;
	s8 =	sld [smem:$0x3FB6]  }
0x2e: {  	s3 =	simm.s32 @!p0 $0x1082;
	s9 =	sld [smem:$0x3FB7]  }
0x2f: {  	lr =	sadd.s32 s0, s3;
	s0 =	sld [smem:$0x3FAE]  }
0x30: {  	s3 =	sld [smem:$0x3FB1]  }
0x31: {  	[smem:$0x3FBA] =	sst s10  }
0x32: {  	s10 =	sld [smem:$0x3FB8];
	_ =	sdelay $0x3  }
0x33: {  	p0 =	seq.s32 s10, $0x1;
	s10 =	sld [smem:$0x3FBA];
	_ =	sdelay $0x3  }
0x34: {  	[smem:$0x3FBA] =	sst s10  }
0x35: {  	s10 =	sld [smem:$0x3FB9];
	_ =	sdelay $0x3  }
0x36: {  	p1 =	seq.s32 s10, $0x1;
	s10 =	sld [smem:$0x3FBA];
	_ =	sdelay $0x3  }
0x37: {  	[smem:$0x3FBA] =	sst s10  }
0x38: {  	s10 =	sld [smem:$0x3FBB]  }
0x39: {  	_ = 	snop;
	(pc) =	sbr.ind lr, $3  }
0x3a: {  	_ = 	snop  }
0x3b: {  	_ = 	snop  }
0x3c: {  	p2 =	seq.s32 s10, $0x1;
	s10 =	sld [smem:$0x3FBA]  }
0x3d: {  	_ =	shalt  }
0x3e: {  	_ =	shalt  }
0x3f: {  	_ =	shalt  }
0x40: {  	_ =	shalt  }
0x41: {  	_ =	shalt  }
0x42: {  	_ =	shalt  }
0x43: {  	_ =	shalt  }
0x44: {  	_ =	shalt  }
0x45: {  	_ =	shalt  }
0x46: {  	_ =	shalt  }
0x47: {  	_ =	shalt  }
0x48: {  	_ =	shalt  }
0x49: {  	_ =	shalt  }
0x4a: {  	_ =	shalt  }
0x4b: {  	_ =	shalt  }
0x4c: {  	_ =	shalt  }
0x4d: {  	_ =	shalt  }
0x4e: {  	_ =	shalt  }
0x4f: {  	_ =	shalt  }
0x50: {  	_ =	shalt  }
0x51: {  	_ =	shalt  }
0x52: {  	_ =	shalt  }
0x53: {  	_ =	shalt  }
0x54: {  	_ =	shalt  }
0x55: {  	_ =	shalt  }
0x56: {  	_ =	shalt  }
0x57: {  	_ =	shalt  }
0x58: {  	_ =	shalt  }
0x59: {  	_ =	shalt  }
0x5a: {  	_ =	shalt  }
0x5b: {  	_ =	shalt  }
0x5c: {  	_ =	shalt  }
0x5d: {  	_ =	shalt  }
0x5e: {  	_ =	shalt  }
0x5f: {  	_ =	shalt  }
0x60: {  	_ =	shalt  }
0x61: {  	_ =	shalt  }
0x62: {  	_ =	shalt  }
0x63: {  	_ =	shalt  }
0x64: {  	_ =	shalt  }
0x65: {  	_ =	shalt  }
0x66: {  	_ =	shalt  }
0x67: {  	_ =	shalt  }
0x68: {  	_ =	shalt  }
0x69: {  	_ =	shalt  }
0x6a: {  	_ =	shalt  }
0x6b: {  	_ =	shalt  }
0x6c: {  	_ =	shalt  }
0x6d: {  	_ =	shalt  }
0x6e: {  	_ =	shalt  }
0x6f: {  	_ =	shalt  }
0x70: {  	_ =	shalt  }
0x71: {  	_ =	shalt  }
0x72: {  	_ =	shalt  }
0x73: {  	_ =	shalt  }
0x74: {  	_ =	shalt  }
0x75: {  	_ =	shalt  }
0x76: {  	_ =	shalt  }
0x77: {  	_ =	shalt  }
0x78: {  	_ =	shalt  }
0x79: {  	_ =	shalt  }
0x7a: {  	_ =	shalt  }
0x7b: {  	_ =	shalt  }
0x7c: {  	_ =	shalt  }
0x7d: {  	_ =	shalt  }
0x7e: {  	_ =	shalt  }
0x7f: {  	_ =	shalt  }
0x80: {  	_ =	shalt  }
0x81: {  	_ =	shalt  }
0x82: {  	_ =	shalt  }
0x83: {  	_ =	shalt  }
0x84: {  	_ =	shalt  }
0x85: {  	_ =	shalt  }
0x86: {  	_ =	shalt  }
0x87: {  	_ =	shalt  }
.Lfunc_end0:
.L_simem_size_0:
called_computation_lowered:
.L_overlay_start_0:
0x88: {  	s2 =	sld [smem:$0x3FD9]  }
0x89: {  	s3 =	sld [smem:$0x3FFE];
	_ =	sdelay $0x1  }
0x8a: {  	s1 =	srdreg.scid  }
0x8b: {  	s0 =	sand.u32 $0x1, s1  }
0x8c: {  	s17 =	sshll.u32 s0, $0xA;
	s2 =	sadd.s32 s3, s2  }
0x8d: {  	s2 =	sadd.s32 s2, s17  }
0x8e: {  	[smem:$0x3FC6] =	sst s2  }
0x8f: {  	_ = 	snop  }
0x90: {  	s2 =	sld [smem:$0x3FC8]  }
0x91: {  	s18 =	sld [smem:$0x3FD0];
	(tm) =	ssettm $0x1  }
0x92: {  	s4 =	sld [smem:$0x3FFB];
	_ =	sdelay $0x3  }
0x93: {  	_ =	strace s4  }
0x94: {  	s4 =	sld [smem:$0x3FFC];
	_ =	sdelay $0x3  }
0x95: {  	_ =	strace s4  }
0x96: {  	s4 =	sld [smem:$0x3FFD];
	_ =	sdelay $0x3  }
0x97: {  	_ =	strace s4  }
0x98: {  	_ =	strace $0x8FFFFFFF  }
0x99: {  	s19 =	sld [smem:$0x3FDB];
	_ =	sdelay $0x1  }
0x9a: {  	s5 =	simm.s32 $_scs_section_size  }
0x9b: {  	s6 =	simm.s32 $_size__tile_overlayer_lowered;
	s7 =	simm.s32 $_tile_overlayer_lowered  }
0x9c: {  	s22 =	simm.s32 $0x1BFF;
	s21 =	sshll.u32 s7, $0x1;
	s4 =	sadd.s32 s5, s19  }
0x9d: {  	s8 =	simm.s32 $0x0;
	s20 =	sshll.u32 s6, $0x1;
	s6 =	sadd.s32 s21, s4  }
0x9e: {  	[timem:s8], [sflag:s22] =	dma.local [hbm:s6], s20  }
0x9f: {  	_ =	swait.ge [sflag:s22], s20  }
0xa0: {  	s5 =	ssub.s32 $0x0, s20;
	[sflag:s22] =	ssyncset.done $0x0  }
0xa1: {  	[sflag:s22] =	ssyncadd.s32 s5;
	_ =	sdelay $0x1  }
0xa2: {  	s23 =	simm.s32 $0x1B8B  }
0xa3: {  	_ =	swait.ge [sflag:s23], $0x1  }
0xa4: {  	[sflag:s23] =	ssyncset.done $0x0  }
0xa5: {  	s25 =	simm.s32 $0x1B8E;
	s24 =	sld [smem:$0x3FFE];
	[sflag:s23] =	ssyncadd.s32 $0xFFFFFFFF  }
0xa6: {  	s26 =	simm.s32 $execute0_lowered;
	[smem:$0x3FD2] =	sst s25  }
0xa7: {  	s6 =	sshll.u32 s26, $0x1;
	_ =	strace $0x80000046;
	[dreg:$0x1] =	wrdreg $0xFFFFFFFF  }
0xa8: {  	s28 =	simm.s32 $_size_execute0_lowered;
	s4 =	sadd.s32 s4, s6;
	[dreg:$0x0] =	wrdreg $0x0  }
0xa9: {  	s6 =	sshll.u32 s28, $0x1;
	[dreg:$0x2] =	wrdreg s4  }
0xaa: {  	[dreg:$0x3] =	wrdreg s6  }
0xab: {  	[dreg:$0x4] =	wrdreg $0xC0  }
0xac: {  	_ =	task [dreg:s8], $0x5FFFF  }
0xad: {  	[dreg:$0x1] =	wrdreg $0xFFFFFFFF  }
0xae: {  	[dreg:$0x0] =	wrdreg $0x60  }
0xaf: {  	[dreg:$0x2] =	wrdreg s24  }
0xb0: {  	[dreg:$0x3] =	wrdreg s2  }
0xb1: {  	[dreg:$0x4] =	wrdreg s18  }
0xb2: {  	[dreg:$0x5] =	wrdreg $0x9  }
0xb3: {  	_ =	task.clear_ibuf [dreg:s8], $0x6FFFF;
	_ =	strace $0x90000046  }
0xb4: {  	s29 =	simm.s32 $0x9;
	_ =	strace $0x80000048  }
0xb5: {  	_ =	swait.ge [sflag:s29], $0x1  }
0xb6: {  	[sflag:s29] =	ssyncadd.s32 $0xFFFFFFFF  }
0xb7: {  	_ =	strace $0x90000048  }
0xb8: {  	_ =	sfence  }
0xb9: {  	s30 =	sld [smem:$0x0];
	_ =	sdelay $0x2  }
0xba: {  	s31 =	sshll.u32 s1, $0xD;
	s1 =	sshrl.u32 s1, $0x2  }
0xbb: {  	s3 =	sand.u32 $0x4000, s31;
	s1 =	sadd.s32 s1, s30  }
0xbc: {  	s0 =	sor.u32 s3, s0;
	s1 =	sshll.u32 s1, $0x11  }
0xbd: {  	s0 =	sor.u32 s1, s0  }
0xbe: {  	s0 =	sadd.s32 $0x8F2B, s0  }
0xbf: {  	[sflag:s0] =	ssyncadd.remote.s32 $0x1  }
0xc0: {  	_ =	sfence.sel $0xFFFF  }
0xc1: {  	[dreg:$0x0] =	wrdreg $0xFFFFFFFF;
	(pc) =	sbr.abs _section_cstart, $3  }
0xc2: {  	[dreg:$0x1] =	wrdreg $0xFFFFFFFF  }
0xc3: {  	_ =	task.clear_ibuf [dreg:s8], $0x2FFFF;
	_ =	strace $0x9FFFFFFF  }
0xc4: {  	(tm) =	ssettm $0x7FFFFFFF  }
0xc5: {  	_ =	shalt  }
tec
execute0_lowered:
.L_overlay_start_1:
0x0: {  	(tag) =	ssettag $0x1  }
0x1: {  	s0 =	rddreg [dreg:$0x0]  }
0x2: {  	s1 =	rddreg [dreg:$0x1]  }
0x3: {  	s2 =	rddreg [dreg:$0x2];
	s3 =	simm.s32 $0x0;
	s4 =	srdreg.scid  }
0x4: {  	s8 =	stileid.u32;
	s26 =	simm.s32 $0x1;
	s10 =	simm.s32 $0x10A00  }
0x5: {  	s11 =	simm.s32 $0x11200;
	s12 =	simm.s32 $0x11A00;
	s13 =	simm.s32 $0x12200  }
0x6: {  	s14 =	simm.s32 $0x12A00;
	s15 =	simm.s32 $0x800;
	s16 =	simm.s32 $0x2000  }
0x7: {  	s17 =	simm.s32 $0x13200;
	s18 =	simm.s32 $0x2;
	s19 =	simm.s32 $0x17200  }
0x8: {  	s21 =	simm.s32 $0x0;
	[smem:$0x7FF] =	sst s3;
	s4 =	sand.u32 $0x1, s4  }
0x9: {  	s5 =	sshll.u32 s8, $0xC;
	s0 =	sadd.s32 $0x400, s0;
	s31 =	sand.u32 $0xE, s8  }
0xa: {  	s6 =	ssub.s32 $0x2, s4;
	s4 =	sshll.u32 s4, $0xB;
	s5 =	sand.u32 $0x1000, s5  }
0xb: {  	_ =	strace $0x80000047;
	[dreg:$0x5] =	wrdreg s0;
	s7 =	sshrl.u32 s6, $0x1  }
0xc: {  	v2 =	vlaneseq.u32;
	[dreg:$0x6] =	wrdreg s31;
	s4 =	sor.u32 s4, s5;
	s30 =	ssub.s32 s6, s7  }
0xd: {  	vm0 =	vmmov $0xffff;
	v1 =	vshrl.u32 v2, $0x3;
	[dreg:$0x4] =	wrdreg s4;
	s4 =	sshrl.u32 s4, $0x3;
	s0 =	smax.u32 s30, $0x1  }
0xe: {  	v0 =	vand.u32 $0x7, v2;
	v2 =	vor.u32 $0x8, v2;
	v1 =	vmul.u32 $0x8, v1;
	s7 =	sadd.s32 s1, s4;
	s4 =	simm.s32 $0x0;
	[dreg:$0x7] =	wrdreg s0  }
.LBB2_1:
0xf: {  	[dreg:$0x8] =	wrdreg s4;
	s20 =	simm.s32 $0x0  }
.LBB2_2:
0x10: {  	s0 =	sshrl.u32 s20, $0x1;
	s1 =	rddreg [dreg:$0x6]  }
0x11: {  	s0 =	sor.u32 s1, s0  }
0x12: {  	s1 =	sand.u32 $0x1, s20;
	s4 =	smul.u32 $0x6400, s0  }
0x13: {  	s5 =	smul.u32 $0x3200, s1;
	_ =	sdelay $0x1  }
0x14: {  	s4 =	sadd.s32 s5, s4  }
0x15: {  	s23 =	rddreg [dreg:$0x5];
	s4 =	sshrl.u32 s4, $0x3  }
0x16: {  	s24 =	simm.s32 $0x5;
	s4 =	sadd.s32 s23, s4  }
0x17: {  	[tilespmem:s21], [sflag:$0x5] =	stream.linear.gather [hbm4b:s4+s21], $0x3200, $0x38;
	[tilespmem:$0x1B200] =	vst v63  }
0x18: {  	_ =	swait.ge [sflag:s24], $0x3200  }
0x19: {  	[sflag:s24] =	ssyncset.done $0x0  }
0x1a: {  	[sflag:s24] =	ssyncadd.s32 $0xFFFFCE00  }
0x1b: {  	v3 =	vld [tilespmem:$0x0];
	_ =	sdelay $0x4  }
0x1c: {  	v4 =	vshll.u32 v3, $0x3  }
0x1d: {  	v3 =	vand.u32 $0x7, v3;
	v4 =	vand.u32 $0xFFFFFFC0, v4  }
0x1e: {  	v3 =	vor.u32 v3, v4  }
0x1f: {  	v4 =	vperm.xlane v3, v0;
	_ =	sdelay $0x1  }
0x20: {  	v3 =	vperm.xlane v3, v2;
	v4 =	vadd.s32 v1, v4;
	_ =	sdelay $0x1  }
0x21: {  	v3 =	vadd.s32 v1, v3;
	_ =	sdelay $0x1  }
0x22: {  	s25 =	simm.s32 $0x3200  }
0x23: {  	[tilespmem:s25], [sflag:$0x1] =	stream.indirect_vreg.gather [hbm4b:s7+s21], $0x80, v4, vm0, $0xb8;
	[tilespmem:$0x1B200] =	vst v63  }
0x24: {  	s28 =	simm.s32 $0x3A00  }
0x25: {  	[tilespmem:s28], [sflag:$0x1] =	stream.indirect_vreg.gather [hbm4b:s7+s21], $0x80, v3, vm0, $0xb8;
	[tilespmem:$0x1B200] =	vst v63  }
0x26: {  	v3 =	vld [tilespmem:$0x10];
	_ =	sdelay $0x4  }
0x27: {  	v57 =	vshll.u32 v3, $0x3  }
0x28: {  	v3 =	vand.u32 $0x7, v3;
	v4 =	vand.u32 $0xFFFFFFC0, v57  }
0x29: {  	v3 =	vor.u32 v3, v4  }
0x2a: {  	v4 =	vperm.xlane v3, v0;
	_ =	sdelay $0x1  }
0x2b: {  	v3 =	vperm.xlane v3, v2;
	v4 =	vadd.s32 v1, v4;
	_ =	sdelay $0x1  }
0x2c: {  	v3 =	vadd.s32 v1, v3;
	_ =	sdelay $0x1  }
0x2d: {  	s29 =	simm.s32 $0x4200  }
0x2e: {  	[tilespmem:s29], [sflag:$0x1] =	stream.indirect_vreg.gather [hbm4b:s7+s21], $0x80, v4, vm0, $0xb8;
	[tilespmem:$0x1B200] =	vst v63  }
0x2f: {  	s30 =	simm.s32 $0x4A00  }
0x30: {  	[tilespmem:s30], [sflag:$0x1] =	stream.indirect_vreg.gather [hbm4b:s7+s21], $0x80, v3, vm0, $0xb8;
	[tilespmem:$0x1B200] =	vst v63  }
0x31: {  	v3 =	vld [tilespmem:$0x20];
	_ =	sdelay $0x4  }
0x32: {  	v58 =	vshll.u32 v3, $0x3  }
0x33: {  	v3 =	vand.u32 $0x7, v3;
	v4 =	vand.u32 $0xFFFFFFC0, v58  }
0x34: {  	v3 =	vor.u32 v3, v4  }
0x35: {  	v4 =	vperm.xlane v3, v0;
	_ =	sdelay $0x1  }
0x36: {  	v3 =	vperm.xlane v3, v2;
	v4 =	vadd.s32 v1, v4;
	_ =	sdelay $0x1  }
0x37: {  	v3 =	vadd.s32 v1, v3;
	_ =	sdelay $0x1  }
0x38: {  	s31 =	simm.s32 $0x5200  }
0x39: {  	[tilespmem:s31], [sflag:$0x1] =	stream.indirect_vreg.gather [hbm4b:s7+s21], $0x80, v4, vm0, $0xb8;
	[tilespmem:$0x1B200] =	vst v63  }
0x3a: {  	s5 =	simm.s32 $0x5A00  }
0x3b: {  	[tilespmem:s5], [sflag:$0x1] =	stream.indirect_vreg.gather [hbm4b:s7+s21], $0x80, v3, vm0, $0xb8;
	[tilespmem:$0x1B200] =	vst v63  }
0x3c: {  	v3 =	vld [tilespmem:$0x30];
	_ =	sdelay $0x4  }
0x3d: {  	v59 =	vshll.u32 v3, $0x3  }
0x3e: {  	v3 =	vand.u32 $0x7, v3;
	v4 =	vand.u32 $0xFFFFFFC0, v59  }
0x3f: {  	v3 =	vor.u32 v3, v4  }
0x40: {  	v4 =	vperm.xlane v3, v0;
	_ =	sdelay $0x1  }
0x41: {  	v3 =	vperm.xlane v3, v2;
	v4 =	vadd.s32 v1, v4;
	_ =	sdelay $0x1  }
0x42: {  	v3 =	vadd.s32 v1, v3;
	_ =	sdelay $0x1  }
0x43: {  	s6 =	simm.s32 $0x6200  }
0x44: {  	[tilespmem:s6], [sflag:$0x1] =	stream.indirect_vreg.gather [hbm4b:s7+s21], $0x80, v4, vm0, $0xb8;
	[tilespmem:$0x1B200] =	vst v63  }
0x45: {  	s8 =	simm.s32 $0x6A00  }
0x46: {  	[tilespmem:s8], [sflag:$0x1] =	stream.indirect_vreg.gather [hbm4b:s7+s21], $0x80, v3, vm0, $0xb8;
	[tilespmem:$0x1B200] =	vst v63  }
0x47: {  	v3 =	vld [tilespmem:$0x80];
	_ =	sdelay $0x4  }
0x48: {  	v60 =	vshll.u32 v3, $0x3  }
0x49: {  	v3 =	vand.u32 $0x7, v3;
	v4 =	vand.u32 $0xFFFFFFC0, v60  }
0x4a: {  	v3 =	vor.u32 v3, v4  }
0x4b: {  	v4 =	vperm.xlane v3, v0;
	_ =	sdelay $0x1  }
0x4c: {  	v3 =	vperm.xlane v3, v2;
	v4 =	vadd.s32 v1, v4;
	_ =	sdelay $0x1  }
0x4d: {  	v3 =	vadd.s32 v1, v3;
	_ =	sdelay $0x1  }
0x4e: {  	s9 =	simm.s32 $0x7200  }
0x4f: {  	[tilespmem:s9], [sflag:$0x1] =	stream.indirect_vreg.gather [hbm4b:s7+s21], $0x80, v4, vm0, $0xb8;
	[tilespmem:$0x1B200] =	vst v63  }
0x50: {  	s22 =	simm.s32 $0x7A00  }
0x51: {  	[tilespmem:s22], [sflag:$0x1] =	stream.indirect_vreg.gather [hbm4b:s7+s21], $0x80, v3, vm0, $0xb8;
	[tilespmem:$0x1B200] =	vst v63  }
0x52: {  	v3 =	vld [tilespmem:$0x90];
	_ =	sdelay $0x4  }
0x53: {  	v61 =	vshll.u32 v3, $0x3  }
0x54: {  	v3 =	vand.u32 $0x7, v3;
	v4 =	vand.u32 $0xFFFFFFC0, v61  }
0x55: {  	v3 =	vor.u32 v3, v4  }
0x56: {  	v4 =	vperm.xlane v3, v0;
	_ =	sdelay $0x1  }
0x57: {  	v3 =	vperm.xlane v3, v2;
	v4 =	vadd.s32 v1, v4;
	_ =	sdelay $0x1  }
0x58: {  	v3 =	vadd.s32 v1, v3;
	_ =	sdelay $0x1  }
0x59: {  	s23 =	simm.s32 $0x8200  }
0x5a: {  	[tilespmem:s23], [sflag:$0x1] =	stream.indirect_vreg.gather [hbm4b:s7+s21], $0x80, v4, vm0, $0xb8;
	[tilespmem:$0x1B200] =	vst v63  }
0x5b: {  	s24 =	simm.s32 $0x8A00  }
0x5c: {  	[tilespmem:s24], [sflag:$0x1] =	stream.indirect_vreg.gather [hbm4b:s7+s21], $0x80, v3, vm0, $0xb8;
	[tilespmem:$0x1B200] =	vst v63  }
0x5d: {  	v3 =	vld [tilespmem:$0xA0];
	_ =	sdelay $0x4  }
0x5e: {  	v62 =	vshll.u32 v3, $0x3  }
0x5f: {  	v3 =	vand.u32 $0x7, v3;
	v4 =	vand.u32 $0xFFFFFFC0, v62  }
0x60: {  	v3 =	vor.u32 v3, v4  }
0x61: {  	v4 =	vperm.xlane v3, v0;
	_ =	sdelay $0x1  }
0x62: {  	v3 =	vperm.xlane v3, v2;
	v4 =	vadd.s32 v1, v4;
	_ =	sdelay $0x1  }
0x63: {  	v3 =	vadd.s32 v1, v3;
	_ =	sdelay $0x1  }
0x64: {  	s25 =	simm.s32 $0x9200  }
0x65: {  	[tilespmem:s25], [sflag:$0x1] =	stream.indirect_vreg.gather [hbm4b:s7+s21], $0x80, v4, vm0, $0xb8;
	[tilespmem:$0x1B200] =	vst v63  }
0x66: {  	s28 =	simm.s32 $0x9A00  }
0x67: {  	[tilespmem:s28], [sflag:$0x1] =	stream.indirect_vreg.gather [hbm4b:s7+s21], $0x80, v3, vm0, $0xb8;
	[tilespmem:$0x1B200] =	vst v63  }
0x68: {  	v3 =	vld [tilespmem:$0xB0];
	_ =	sdelay $0x4  }
0x69: {  	v63 =	vshll.u32 v3, $0x3  }
0x6a: {  	v3 =	vand.u32 $0x7, v3;
	v4 =	vand.u32 $0xFFFFFFC0, v63  }
0x6b: {  	v3 =	vor.u32 v3, v4  }
0x6c: {  	v4 =	vperm.xlane v3, v0;
	_ =	sdelay $0x1  }
0x6d: {  	v3 =	vperm.xlane v3, v2;
	v4 =	vadd.s32 v1, v4;
	_ =	sdelay $0x1  }
0x6e: {  	v3 =	vadd.s32 v1, v3  }
0x6f: {  	s0 =	sshll.u32 s0, $0x10  }
0x70: {  	s29 =	simm.s32 $0xA200;
	s30 =	simm.s32 $0xAA00;
	s31 =	rddreg [dreg:$0x4]  }
0x71: {  	[tilespmem:s29], [sflag:$0x1] =	stream.indirect_vreg.gather [hbm4b:s7+s21], $0x80, v4, vm0, $0xb8;
	[tilespmem:$0x1B200] =	vst v63  }
0x72: {  	s22 =	smul.u32 $0x32, s1;
	s23 =	sor.u32 s31, s0;
	s24 =	simm.s32 $0x0  }
0x73: {  	[tilespmem:s30], [sflag:$0x1] =	stream.indirect_vreg.gather [hbm4b:s7+s21], $0x80, v3, vm0, $0xb8;
	[tilespmem:$0x1B200] =	vst v63  }
.LBB2_3:
0x74: {  	_ =	swait.ge [sflag:s26], $0x4000  }
0x75: {  	[sflag:s26] =	ssyncset.done $0x0  }
0x76: {  	[sflag:s26] =	ssyncadd.s32 $0xFFFFC000  }
0x77: {  	s25 =	sshllo.u32 s24, $0x1;
	_ =	swait.ge [sflag:s26], $0x4000  }
0x78: {  	s0 =	sshll.u32 s25, $0x8;
	[sflag:s26] =	ssyncset.done $0x0  }
0x79: {  	s0 =	sand.u32 $0x3FFFFF00, s0;
	[sflag:s26] =	ssyncadd.s32 $0xFFFFC000  }
0x7a: {  	v3 =	vld [tilespmem:s0+$0x0];
	_ =	sdelay $0x4  }
0x7b: {  	v4 =	vshll.u32 v3, $0x3  }
0x7c: {  	v3 =	vand.u32 $0x7, v3;
	v4 =	vand.u32 $0xFFFFFFC0, v4  }
0x7d: {  	v3 =	vor.u32 v3, v4  }
0x7e: {  	v4 =	vperm.xlane v3, v0;
	_ =	sdelay $0x1  }
0x7f: {  	v3 =	vperm.xlane v3, v2;
	v4 =	vadd.s32 v1, v4;
	_ =	sdelay $0x1  }
0x80: {  	v3 =	vadd.s32 v1, v3;
	_ =	sdelay $0x1  }
0x81: {  	s1 =	simm.s32 $0xB200  }
0x82: {  	[tilespmem:s1], [sflag:$0x2] =	stream.indirect_vreg.gather [hbm4b:s7+s3], $0x80, v4, vm0, $0xb8;
	[tilespmem:$0x1B200] =	vst v63  }
0x83: {  	s9 =	simm.s32 $0xBA00  }
0x84: {  	[tilespmem:s9], [sflag:$0x2] =	stream.indirect_vreg.gather [hbm4b:s7+s3], $0x80, v3, vm0, $0xb8;
	[tilespmem:$0x1B200] =	vst v63  }
0x85: {  	v3 =	vld [tilespmem:s0+$0x10];
	_ =	sdelay $0x4  }
0x86: {  	v4 =	vshll.u32 v3, $0x3  }
0x87: {  	v3 =	vand.u32 $0x7, v3;
	v4 =	vand.u32 $0xFFFFFFC0, v4  }
0x88: {  	v3 =	vor.u32 v3, v4  }
0x89: {  	v4 =	vperm.xlane v3, v0;
	_ =	sdelay $0x1  }
0x8a: {  	v3 =	vperm.xlane v3, v2;
	v4 =	vadd.s32 v1, v4;
	_ =	sdelay $0x1  }
0x8b: {  	v3 =	vadd.s32 v1, v3;
	_ =	sdelay $0x1  }
0x8c: {  	s4 =	simm.s32 $0xC200  }
0x8d: {  	[tilespmem:s4], [sflag:$0x2] =	stream.indirect_vreg.gather [hbm4b:s7+s3], $0x80, v4, vm0, $0xb8;
	[tilespmem:$0x1B200] =	vst v63  }
0x8e: {  	s5 =	simm.s32 $0xCA00  }
0x8f: {  	[tilespmem:s5], [sflag:$0x2] =	stream.indirect_vreg.gather [hbm4b:s7+s3], $0x80, v3, vm0, $0xb8;
	[tilespmem:$0x1B200] =	vst v63  }
0x90: {  	v3 =	vld [tilespmem:s0+$0x20];
	_ =	sdelay $0x4  }
0x91: {  	v4 =	vshll.u32 v3, $0x3  }
0x92: {  	v3 =	vand.u32 $0x7, v3;
	v4 =	vand.u32 $0xFFFFFFC0, v4  }
0x93: {  	v3 =	vor.u32 v3, v4  }
0x94: {  	v4 =	vperm.xlane v3, v0;
	_ =	sdelay $0x1  }
0x95: {  	v3 =	vperm.xlane v3, v2;
	v4 =	vadd.s32 v1, v4;
	_ =	sdelay $0x1  }
0x96: {  	v3 =	vadd.s32 v1, v3;
	_ =	sdelay $0x1  }
0x97: {  	s6 =	simm.s32 $0xD200  }
0x98: {  	[tilespmem:s6], [sflag:$0x2] =	stream.indirect_vreg.gather [hbm4b:s7+s3], $0x80, v4, vm0, $0xb8;
	[tilespmem:$0x1B200] =	vst v63  }
0x99: {  	s8 =	simm.s32 $0xDA00  }
0x9a: {  	[tilespmem:s8], [sflag:$0x2] =	stream.indirect_vreg.gather [hbm4b:s7+s3], $0x80, v3, vm0, $0xb8;
	[tilespmem:$0x1B200] =	vst v63  }
0x9b: {  	v3 =	vld [tilespmem:s0+$0x30];
	_ =	sdelay $0x4  }
0x9c: {  	v4 =	vshll.u32 v3, $0x3  }
0x9d: {  	v3 =	vand.u32 $0x7, v3;
	v4 =	vand.u32 $0xFFFFFFC0, v4  }
0x9e: {  	v3 =	vor.u32 v3, v4  }
0x9f: {  	v4 =	vperm.xlane v3, v0;
	_ =	sdelay $0x1  }
0xa0: {  	v3 =	vperm.xlane v3, v2;
	v4 =	vadd.s32 v1, v4;
	_ =	sdelay $0x1  }
0xa1: {  	v3 =	vadd.s32 v1, v3;
	_ =	sdelay $0x1  }
0xa2: {  	s9 =	simm.s32 $0xE200  }
0xa3: {  	[tilespmem:s9], [sflag:$0x2] =	stream.indirect_vreg.gather [hbm4b:s7+s3], $0x80, v4, vm0, $0xb8;
	[tilespmem:$0x1B200] =	vst v63  }
0xa4: {  	s4 =	simm.s32 $0xEA00  }
0xa5: {  	[tilespmem:s4], [sflag:$0x2] =	stream.indirect_vreg.gather [hbm4b:s7+s3], $0x80, v3, vm0, $0xb8;
	[tilespmem:$0x1B200] =	vst v63  }
0xa6: {  	v3 =	vld [tilespmem:s0+$0x80];
	_ =	sdelay $0x4  }
0xa7: {  	v4 =	vshll.u32 v3, $0x3  }
0xa8: {  	v3 =	vand.u32 $0x7, v3;
	v4 =	vand.u32 $0xFFFFFFC0, v4  }
0xa9: {  	v3 =	vor.u32 v3, v4  }
0xaa: {  	v4 =	vperm.xlane v3, v0;
	_ =	sdelay $0x1  }
0xab: {  	v3 =	vperm.xlane v3, v2;
	v4 =	vadd.s32 v1, v4;
	_ =	sdelay $0x1  }
0xac: {  	v3 =	vadd.s32 v1, v3;
	_ =	sdelay $0x1  }
0xad: {  	s5 =	simm.s32 $0xF200  }
0xae: {  	[tilespmem:s5], [sflag:$0x2] =	stream.indirect_vreg.gather [hbm4b:s7+s3], $0x80, v4, vm0, $0xb8;
	[tilespmem:$0x1B200] =	vst v63  }
0xaf: {  	s6 =	simm.s32 $0xFA00  }
0xb0: {  	[tilespmem:s6], [sflag:$0x2] =	stream.indirect_vreg.gather [hbm4b:s7+s3], $0x80, v3, vm0, $0xb8;
	[tilespmem:$0x1B200] =	vst v63  }
0xb1: {  	v3 =	vld [tilespmem:s0+$0x90];
	_ =	sdelay $0x4  }
0xb2: {  	v4 =	vshll.u32 v3, $0x3  }
0xb3: {  	v3 =	vand.u32 $0x7, v3;
	v4 =	vand.u32 $0xFFFFFFC0, v4  }
0xb4: {  	v3 =	vor.u32 v3, v4  }
0xb5: {  	v4 =	vperm.xlane v3, v0;
	_ =	sdelay $0x1  }
0xb6: {  	v3 =	vperm.xlane v3, v2;
	v4 =	vadd.s32 v1, v4;
	_ =	sdelay $0x1  }
0xb7: {  	v3 =	vadd.s32 v1, v3;
	_ =	sdelay $0x1  }
0xb8: {  	s8 =	simm.s32 $0x10200  }
0xb9: {  	[tilespmem:s8], [sflag:$0x2] =	stream.indirect_vreg.gather [hbm4b:s7+s3], $0x80, v4, vm0, $0xb8;
	[tilespmem:$0x1B200] =	vst v63  }
0xba: {  	_ = 	snop  }
0xbb: {  	[tilespmem:s10], [sflag:$0x2] =	stream.indirect_vreg.gather [hbm4b:s7+s3], $0x80, v3, vm0, $0xb8;
	[tilespmem:$0x1B200] =	vst v63  }
0xbc: {  	v3 =	vld [tilespmem:s0+$0xA0];
	_ =	sdelay $0x4  }
0xbd: {  	v4 =	vshll.u32 v3, $0x3  }
0xbe: {  	v3 =	vand.u32 $0x7, v3;
	v4 =	vand.u32 $0xFFFFFFC0, v4  }
0xbf: {  	v3 =	vor.u32 v3, v4  }
0xc0: {  	v4 =	vperm.xlane v3, v0;
	_ =	sdelay $0x1  }
0xc1: {  	v3 =	vperm.xlane v3, v2;
	v4 =	vadd.s32 v1, v4;
	_ =	sdelay $0x1  }
0xc2: {  	v3 =	vadd.s32 v1, v3;
	_ =	sdelay $0x2  }
0xc3: {  	[tilespmem:s11], [sflag:$0x2] =	stream.indirect_vreg.gather [hbm4b:s7+s3], $0x80, v4, vm0, $0xb8;
	[tilespmem:$0x1B200] =	vst v63  }
0xc4: {  	_ = 	snop  }
0xc5: {  	[tilespmem:s12], [sflag:$0x2] =	stream.indirect_vreg.gather [hbm4b:s7+s3], $0x80, v3, vm0, $0xb8;
	[tilespmem:$0x1B200] =	vst v63  }
0xc6: {  	v3 =	vld [tilespmem:s0+$0xB0];
	_ =	sdelay $0x4  }
0xc7: {  	v4 =	vshll.u32 v3, $0x3  }
0xc8: {  	v3 =	vand.u32 $0x7, v3;
	v4 =	vand.u32 $0xFFFFFFC0, v4  }
0xc9: {  	v3 =	vor.u32 v3, v4  }
0xca: {  	v4 =	vperm.xlane v3, v0;
	_ =	sdelay $0x1  }
0xcb: {  	v3 =	vperm.xlane v3, v2;
	v4 =	vadd.s32 v1, v4;
	_ =	sdelay $0x1  }
0xcc: {  	v3 =	vadd.s32 v1, v3  }
0xcd: {  	s9 =	sor.u32 s20, s24  }
0xce: {  	p0 =	seq.s32 s9, $0x0  }
0xcf: {  	[tilespmem:s13], [sflag:$0x2] =	stream.indirect_vreg.gather [hbm4b:s7+s3], $0x80, v4, vm0, $0xb8;
	[tilespmem:$0x1B200] =	vst v63  }
0xd0: {  	s1 =	sand.u32 $0x3800, s21;
	s0 =	simm.s32 @!p0 $0x3  }
0xd1: {  	[tilespmem:s14], [sflag:$0x2] =	stream.indirect_vreg.gather [hbm4b:s7+s3], $0x80, v3, vm0, $0xb8;
	[tilespmem:$0x1B200] =	vst v63  }
0xd2: {  	s4 =	simm.s32 $0x4100;
	s5 =	simm.s32 $0x2080;
	_ =	swait.ge @!p0 [sflag:s0], $0x4000  }
0xd3: {  	s9 =	sand.u32 $0x380, s5;
	s6 =	sand.u32 $0x300, s21;
	[sflag:s0] =	ssyncset.done @!p0 $0x0  }
0xd4: {  	s28 =	sor.u32 s6, s1;
	s8 =	sand.u32 $0x7800, s4;
	[sflag:s0] =	ssyncadd.s32 @!p0 $0xFFFFC000  }
0xd5: {  	s29 =	sor.u32 s9, s8;
	v3 =	vld [tilespmem:s28+$0x3280]  }
0xd6: {  	v4 =	vld [tilespmem:s29+$0x3200];
	_ =	sdelay $0x4  }
0xd7: {  	v3 =	vadd.f32 v4, v3;
	_ =	sdelay $0x1  }
0xd8: {  	v3 =	vmul.f32 $5.000000000e-01, v3;
	_ =	sdelay $0x1  }
0xd9: {  	[tilespmem:s28+$0x13280] =	vst v3;
	v3 =	vld [tilespmem:s28+$0x3290]  }
0xda: {  	v4 =	vld [tilespmem:s29+$0x3210];
	_ =	sdelay $0x4  }
0xdb: {  	v3 =	vadd.f32 v4, v3;
	_ =	sdelay $0x1  }
0xdc: {  	v5 =	vld [tilespmem:s28+$0x7200];
	v3 =	vmul.f32 $5.000000000e-01, v3  }
0xdd: {  	v4 =	vld [tilespmem:s28+$0x3200]  }
0xde: {  	[tilespmem:s28+$0x13290] =	vst v3;
	v3 =	vld [tilespmem:s28+$0x32A0]  }
0xdf: {  	v6 =	vld [tilespmem:s29+$0x3220];
	_ =	sdelay $0x3  }
0xe0: {  	v4 =	vadd.f32 v5, v4;
	v5 =	vld [tilespmem:s28+$0x3210]  }
0xe1: {  	v3 =	vadd.f32 v6, v3;
	v6 =	vld [tilespmem:s28+$0x7210]  }
0xe2: {  	v4 =	vmul.f32 $5.000000000e-01, v4  }
0xe3: {  	v7 =	vld [tilespmem:s28+$0x3220];
	v3 =	vmul.f32 $5.000000000e-01, v3  }
0xe4: {  	[tilespmem:s28+$0x13200] =	vst v4;
	v4 =	vld [tilespmem:s28+$0x7220]  }
0xe5: {  	[tilespmem:s28+$0x132A0] =	vst v3;
	v3 =	vld [tilespmem:s28+$0x32B0]  }
0xe6: {  	v5 =	vadd.f32 v6, v5;
	v6 =	vld [tilespmem:s29+$0x3230];
	_ =	sdelay $0x1  }
0xe7: {  	v5 =	vmul.f32 $5.000000000e-01, v5  }
0xe8: {  	v8 =	vld [tilespmem:s28+$0x3230];
	v4 =	vadd.f32 v4, v7  }
0xe9: {  	[tilespmem:s28+$0x13210] =	vst v5;
	v5 =	vld [tilespmem:s28+$0x7230]  }
0xea: {  	v4 =	vmul.f32 $5.000000000e-01, v4;
	v3 =	vadd.f32 v6, v3;
	_ =	sdelay $0x1  }
0xeb: {  	[tilespmem:s28+$0x13220] =	vst v4;
	v4 =	vld [tilespmem:s28+$0x7240];
	v3 =	vmul.f32 $5.000000000e-01, v3  }
0xec: {  	v6 =	vld [tilespmem:s28+$0x3240]  }
0xed: {  	[tilespmem:s28+$0x132B0] =	vst v3;
	v3 =	vadd.f32 v5, v8;
	v5 =	vld [tilespmem:s28+$0x32C0]  }
0xee: {  	v7 =	vld [tilespmem:s29+$0x3240]  }
0xef: {  	v3 =	vmul.f32 $5.000000000e-01, v3;
	_ =	sdelay $0x1  }
0xf0: {  	v8 =	vld [tilespmem:s28+$0x3250];
	[tilespmem:s28+$0x13230] =	vst v3;
	v3 =	vadd.f32 v4, v6  }
0xf1: {  	s5 =	simm.s32 $0x4300;
	s6 =	simm.s32 $0x2180;
	v4 =	vld [tilespmem:s28+$0x7250]  }
0xf2: {  	s8 =	sand.u32 $0x7800, s5;
	s9 =	sand.u32 $0x380, s6;
	v9 =	vld [tilespmem:s28+$0x7270];
	v3 =	vmul.f32 $5.000000000e-01, v3;
	v5 =	vadd.f32 v7, v5  }
0xf3: {  	s31 =	sor.u32 s9, s8;
	v10 =	vld [tilespmem:s28+$0x3600]  }
0xf4: {  	v12 =	vld [tilespmem:s31+$0x3200];
	[tilespmem:s28+$0x13240] =	vst v3;
	v3 =	vmul.f32 $5.000000000e-01, v5  }
0xf5: {  	v48 =	vld [tilespmem:s28+$0x7640]  }
0xf6: {  	[tilespmem:s28+$0x132C0] =	vst v3;
	v3 =	vadd.f32 v4, v8;
	v4 =	vld [tilespmem:s28+$0x32D0]  }
0xf7: {  	s1 =	simm.s32 $0x200;
	s4 =	simm.s32 $0x100;
	v8 =	vld [tilespmem:s29+$0x3250]  }
0xf8: {  	s0 =	sand.u32 $0x3800, s1;
	s1 =	sand.u32 $0x300, s4;
	v15 =	vld [tilespmem:s28+$0x7650]  }
0xf9: {  	s30 =	sor.u32 s1, s0;
	v51 =	vld [tilespmem:s28+$0x7660]  }
0xfa: {  	v11 =	vld [tilespmem:s30+$0x3280]  }
0xfb: {  	v6 =	vld [tilespmem:s28+$0x3260];
	v3 =	vmul.f32 $5.000000000e-01, v3  }
0xfc: {  	v7 =	vld [tilespmem:s28+$0x7260];
	v4 =	vadd.f32 v8, v4  }
0xfd: {  	[tilespmem:s28+$0x13250] =	vst v3;
	v3 =	vld [tilespmem:s28+$0x7600]  }
0xfe: {  	v13 =	vld [tilespmem:s30+$0x3200];
	v4 =	vmul.f32 $5.000000000e-01, v4  }
0xff: {  	v5 =	vld [tilespmem:s28+$0x3270]  }
0x100: {  	[tilespmem:s28+$0x132D0] =	vst v4;
	v4 =	vld [tilespmem:s28+$0x32E0]  }
0x101: {  	v6 =	vadd.f32 v7, v6;
	v8 =	vld [tilespmem:s29+$0x3260]  }
0x102: {  	v14 =	vld [tilespmem:s30+$0x7200];
	v3 =	vadd.f32 v3, v10  }
0x103: {  	v46 =	vld [tilespmem:s30+$0x3210];
	v6 =	vmul.f32 $5.000000000e-01, v6  }
0x104: {  	v47 =	vld [tilespmem:s30+$0x3290];
	v5 =	vadd.f32 v9, v5;
	v3 =	vmul.f32 $5.000000000e-01, v3  }
0x105: {  	v7 =	vld [tilespmem:s28+$0x3610];
	[tilespmem:s28+$0x13260] =	vst v6  }
0x106: {  	v5 =	vmul.f32 $5.000000000e-01, v5;
	v6 =	vld [tilespmem:s28+$0x7610];
	[tilespmem:s28+$0x13600] =	vst v3;
	v3 =	vadd.f32 v8, v4  }
0x107: {  	v9 =	vld [tilespmem:s28+$0x7620]  }
0x108: {  	[tilespmem:s28+$0x13270] =	vst v5;
	v5 =	vld [tilespmem:s28+$0x3620];
	v3 =	vmul.f32 $5.000000000e-01, v3  }
0x109: {  	v49 =	vld [tilespmem:s30+$0x3230]  }
0x10a: {  	v11 =	vadd.f32 v12, v11;
	[tilespmem:s28+$0x132E0] =	vst v3;
	v3 =	vld [tilespmem:s28+$0x32F0]  }
0x10b: {  	v6 =	vadd.f32 v6, v7;
	v7 =	vld [tilespmem:s29+$0x3270]  }
0x10c: {  	v52 =	vld [tilespmem:s30+$0x3250];
	v11 =	vmul.f32 $5.000000000e-01, v11  }
0x10d: {  	v6 =	vmul.f32 $5.000000000e-01, v6;
	v5 =	vadd.f32 v9, v5;
	v9 =	vld [tilespmem:s30+$0x7210]  }
0x10e: {  	v17 =	vld [tilespmem:s30+$0x7260];
	[tilespmem:s30+$0x13280] =	vst v11;
	v11 =	vadd.f32 v14, v13  }
0x10f: {  	[tilespmem:s28+$0x13610] =	vst v6;
	v6 =	vld [tilespmem:s31+$0x3210]  }
0x110: {  	v11 =	vmul.f32 $5.000000000e-01, v11;
	v10 =	vld [tilespmem:s28+$0x3630];
	v3 =	vadd.f32 v7, v3  }
0x111: {  	v5 =	vmul.f32 $5.000000000e-01, v5;
	v4 =	vld [tilespmem:s28+$0x7630]  }
0x112: {  	[tilespmem:s30+$0x13200] =	vst v11;
	v11 =	vld [tilespmem:s30+$0x7220];
	v9 =	vadd.f32 v9, v46;
	v3 =	vmul.f32 $5.000000000e-01, v3  }
0x113: {  	[tilespmem:s28+$0x13620] =	vst v5;
	v5 =	vld [tilespmem:s30+$0x3220]  }
0x114: {  	v6 =	vadd.f32 v6, v47;
	[tilespmem:s28+$0x132F0] =	vst v3;
	v3 =	vmul.f32 $5.000000000e-01, v9;
	v9 =	vld [tilespmem:s28+$0x3680]  }
0x115: {  	v50 =	vld [tilespmem:s29+$0x3600]  }
0x116: {  	v6 =	vmul.f32 $5.000000000e-01, v6;
	[tilespmem:s30+$0x13210] =	vst v3;
	v3 =	vadd.f32 v4, v10;
	v4 =	vld [tilespmem:s30+$0x7230]  }
0x117: {  	v53 =	vld [tilespmem:s30+$0x7270]  }
0x118: {  	v5 =	vadd.f32 v11, v5;
	[tilespmem:s30+$0x13290] =	vst v6;
	v6 =	vld [tilespmem:s30+$0x32A0]  }
0x119: {  	v10 =	vld [tilespmem:s31+$0x3220];
	v3 =	vmul.f32 $5.000000000e-01, v3  }
0x11a: {  	v54 =	vld [tilespmem:s30+$0x3600];
	v5 =	vmul.f32 $5.000000000e-01, v5;
	v9 =	vadd.f32 v50, v9  }
0x11b: {  	[tilespmem:s28+$0x13630] =	vst v3;
	v3 =	vld [tilespmem:s30+$0x3240];
	v4 =	vadd.f32 v4, v49  }
0x11c: {  	[tilespmem:s30+$0x13220] =	vst v5;
	v5 =	vmul.f32 $5.000000000e-01, v9;
	v9 =	vld [tilespmem:s30+$0x7240]  }
0x11d: {  	v55 =	vld [tilespmem:s30+$0x7600];
	v4 =	vmul.f32 $5.000000000e-01, v4  }
0x11e: {  	v6 =	vadd.f32 v10, v6;
	[tilespmem:s28+$0x13680] =	vst v5;
	v5 =	vld [tilespmem:s28+$0x3690]  }
0x11f: {  	[tilespmem:s30+$0x13230] =	vst v4;
	v4 =	vld [tilespmem:s29+$0x3610]  }
0x120: {  	v10 =	vld [tilespmem:s30+$0x7250];
	v6 =	vmul.f32 $5.000000000e-01, v6  }
0x121: {  	v56 =	vld [tilespmem:s30+$0x3610];
	v3 =	vadd.f32 v9, v3  }
0x122: {  	[tilespmem:s30+$0x132A0] =	vst v6;
	v6 =	vld [tilespmem:s30+$0x32B0]  }
0x123: {  	v16 =	vld [tilespmem:s31+$0x3230];
	v3 =	vmul.f32 $5.000000000e-01, v3  }
0x124: {  	v9 =	vld [tilespmem:s30+$0x3260];
	v4 =	vadd.f32 v4, v5  }
0x125: {  	v8 =	vld [tilespmem:s28+$0x3640];
	[tilespmem:s30+$0x13240] =	vst v3;
	v3 =	vadd.f32 v10, v52  }
0x126: {  	v10 =	vld [tilespmem:s30+$0x3270];
	v4 =	vmul.f32 $5.000000000e-01, v4  }
0x127: {  	v57 =	vld [tilespmem:s30+$0x3620];
	v3 =	vmul.f32 $5.000000000e-01, v3  }
0x128: {  	v58 =	vld [tilespmem:s30+$0x7620];
	v6 =	vadd.f32 v16, v6;
	[tilespmem:s28+$0x13690] =	vst v4  }
0x129: {  	v4 =	vld [tilespmem:s28+$0x36A0];
	[tilespmem:s30+$0x13250] =	vst v3;
	v3 =	vadd.f32 v17, v9  }
0x12a: {  	v8 =	vadd.f32 v48, v8;
	v6 =	vmul.f32 $5.000000000e-01, v6;
	v9 =	vld [tilespmem:s29+$0x3620]  }
0x12b: {  	v59 =	vld [tilespmem:s30+$0x7630];
	v10 =	vadd.f32 v53, v10;
	v3 =	vmul.f32 $5.000000000e-01, v3  }
0x12c: {  	[tilespmem:s30+$0x132B0] =	vst v6;
	v6 =	vmul.f32 $5.000000000e-01, v8;
	v8 =	vld [tilespmem:s30+$0x32C0]  }
0x12d: {  	[tilespmem:s30+$0x13260] =	vst v3;
	v3 =	vmul.f32 $5.000000000e-01, v10;
	v10 =	vld [tilespmem:s31+$0x3240]  }
0x12e: {  	v60 =	vld [tilespmem:s30+$0x3640]  }
0x12f: {  	[tilespmem:s28+$0x13640] =	vst v6;
	v6 =	vld [tilespmem:s30+$0x7610];
	v4 =	vadd.f32 v9, v4  }
0x130: {  	v11 =	vld [tilespmem:s28+$0x3660];
	[tilespmem:s30+$0x13270] =	vst v3;
	v3 =	vadd.f32 v55, v54  }
0x131: {  	v7 =	vld [tilespmem:s28+$0x3650];
	v4 =	vmul.f32 $5.000000000e-01, v4  }
0x132: {  	v5 =	vld [tilespmem:s28+$0x3670];
	v3 =	vmul.f32 $5.000000000e-01, v3;
	v8 =	vadd.f32 v10, v8  }
0x133: {  	[tilespmem:s28+$0x136A0] =	vst v4;
	v4 =	vld [tilespmem:s28+$0x36B0]  }
0x134: {  	[tilespmem:s30+$0x13600] =	vst v3;
	v3 =	vadd.f32 v6, v56;
	v6 =	vld [tilespmem:s29+$0x3630];
	v8 =	vmul.f32 $5.000000000e-01, v8  }
0x135: {  	v10 =	vld [tilespmem:s30+$0x3630]  }
0x136: {  	v14 =	vadd.f32 v58, v57;
	v3 =	vmul.f32 $5.000000000e-01, v3;
	[tilespmem:s30+$0x132C0] =	vst v8;
	v8 =	vld [tilespmem:s30+$0x32D0]  }
0x137: {  	v61 =	vld [tilespmem:s31+$0x3250]  }
0x138: {  	v7 =	vadd.f32 v15, v7;
	v9 =	vld [tilespmem:s28+$0x7670];
	[tilespmem:s30+$0x13610] =	vst v3;
	v3 =	vmul.f32 $5.000000000e-01, v14  }
0x139: {  	v4 =	vadd.f32 v6, v4;
	v6 =	vld [tilespmem:s30+$0x7640]  }
0x13a: {  	v62 =	vld [tilespmem:s30+$0x7650];
	v7 =	vmul.f32 $5.000000000e-01, v7;
	[tilespmem:s30+$0x13620] =	vst v3;
	v3 =	vadd.f32 v59, v10  }
0x13b: {  	v11 =	vadd.f32 v51, v11;
	v10 =	vld [tilespmem:s30+$0x3650];
	v4 =	vmul.f32 $5.000000000e-01, v4  }
0x13c: {  	[tilespmem:s28+$0x13650] =	vst v7;
	v7 =	vld [tilespmem:s28+$0x36C0];
	v63 =	vadd.f32 v61, v8;
	v8 =	vmul.f32 $5.000000000e-01, v3  }
0x13d: {  	v5 =	vadd.f32 v9, v5;
	[tilespmem:s28+$0x136B0] =	vst v4;
	v3 =	vld [tilespmem:s30+$0x3660];
	v4 =	vmul.f32 $5.000000000e-01, v11  }
0x13e: {  	v6 =	vadd.f32 v6, v60;
	[tilespmem:s30+$0x13630] =	vst v8;
	v8 =	vld [tilespmem:s29+$0x3640];
	v9 =	vmul.f32 $5.000000000e-01, v63  }
0x13f: {  	v11 =	vmul.f32 $5.000000000e-01, v5;
	v5 =	vld [tilespmem:s30+$0x7660];
	[tilespmem:s28+$0x13660] =	vst v4  }
0x140: {  	s5 =	simm.s32 $0x400;
	v4 =	vld [tilespmem:s30+$0x3670];
	[tilespmem:s30+$0x132D0] =	vst v9;
	v9 =	vmul.f32 $5.000000000e-01, v6;
	v6 =	vadd.f32 v62, v10  }
0x141: {  	s8 =	simm.s32 $0x200;
	s0 =	sshll.u32 s24, $0x1;
	s1 =	simm.s32 $0x2;
	[tilespmem:s28+$0x13670] =	vst v11;
	v10 =	vld [tilespmem:s30+$0x32E0]  }
.LBB2_4:
0x142: {  	s4 =	sand.u32 $0x3800, s5;
	s6 =	sand.u32 $0x300, s8;
	s9 =	sadd.s32 $0x4100, s5;
	[tilespmem:s30+$0x13640] =	vst v9;
	v6 =	vmul.f32 $5.000000000e-01, v6;
	v9 =	vld [tilespmem:s31+$0x3260]  }
0x143: {  	s1 =	sadd.s32 $0x2, s1;
	s4 =	sor.u32 s6, s4;
	s6 =	sadd.s32 $0x2080, s8;
	v11 =	vld [tilespmem:s30+$0x7670];
	v7 =	vadd.f32 v8, v7  }
0x144: {  	s9 =	sand.u32 $0x7800, s9;
	p1 =	slt.u32 s1, $0x3E;
	v8 =	vld [tilespmem:s4+$0x3200];
	s6 =	sand.u32 $0x380, s6;
	[tilespmem:s30+$0x13650] =	vst v6;
	v3 =	vadd.f32 v5, v3  }
0x145: {  	v5 =	vld [tilespmem:s4+$0x3280];
	s6 =	sor.u32 s6, s9;
	v6 =	vmul.f32 $5.000000000e-01, v7  }
0x146: {  	v7 =	vld [tilespmem:s6+$0x3200];
	v3 =	vmul.f32 $5.000000000e-01, v3  }
0x147: {  	v9 =	vadd.f32 v9, v10;
	[tilespmem:s28+$0x136C0] =	vst v6;
	v6 =	vld [tilespmem:s28+$0x36D0]  }
0x148: {  	[tilespmem:s30+$0x13660] =	vst v3;
	v3 =	vadd.f32 v11, v4;
	v4 =	vld [tilespmem:s29+$0x3650]  }
0x149: {  	v10 =	vld [tilespmem:s4+$0x7200];
	v9 =	vmul.f32 $5.000000000e-01, v9  }
0x14a: {  	v11 =	vld [tilespmem:s4+$0x3210];
	v3 =	vmul.f32 $5.000000000e-01, v3  }
0x14b: {  	v5 =	vadd.f32 v7, v5;
	[tilespmem:s30+$0x132E0] =	vst v9;
	v7 =	vld [tilespmem:s30+$0x32F0]  }
0x14c: {  	[tilespmem:s30+$0x13670] =	vst v3;
	v3 =	vld [tilespmem:s31+$0x3270]  }
0x14d: {  	v9 =	vld [tilespmem:s4+$0x7210];
	v5 =	vmul.f32 $5.000000000e-01, v5;
	v4 =	vadd.f32 v4, v6  }
0x14e: {  	v6 =	vadd.f32 v10, v8;
	v8 =	vld [tilespmem:s4+$0x3220]  }
0x14f: {  	[tilespmem:s4+$0x13280] =	vst v5;
	v5 =	vld [tilespmem:s4+$0x3290];
	v4 =	vmul.f32 $5.000000000e-01, v4  }
0x150: {  	v6 =	vmul.f32 $5.000000000e-01, v6;
	v10 =	vld [tilespmem:s6+$0x3210]  }
0x151: {  	v3 =	vadd.f32 v3, v7;
	[tilespmem:s28+$0x136D0] =	vst v4;
	v4 =	vld [tilespmem:s28+$0x36E0]  }
0x152: {  	[tilespmem:s4+$0x13200] =	vst v6;
	v6 =	vadd.f32 v9, v11;
	v7 =	vld [tilespmem:s29+$0x3660]  }
0x153: {  	v9 =	vld [tilespmem:s4+$0x7220];
	v3 =	vmul.f32 $5.000000000e-01, v3  }
0x154: {  	v6 =	vmul.f32 $5.000000000e-01, v6;
	v11 =	vld [tilespmem:s4+$0x3230]  }
0x155: {  	v5 =	vadd.f32 v10, v5;
	[tilespmem:s30+$0x132F0] =	vst v3;
	v3 =	vld [tilespmem:s30+$0x3680]  }
0x156: {  	[tilespmem:s4+$0x13210] =	vst v6;
	v6 =	vld [tilespmem:s31+$0x3600]  }
0x157: {  	v10 =	vld [tilespmem:s4+$0x7230];
	v5 =	vmul.f32 $5.000000000e-01, v5;
	v4 =	vadd.f32 v7, v4  }
0x158: {  	v7 =	vadd.f32 v9, v8;
	v8 =	vld [tilespmem:s4+$0x3240]  }
0x159: {  	[tilespmem:s4+$0x13290] =	vst v5;
	v5 =	vld [tilespmem:s4+$0x32A0];
	v4 =	vmul.f32 $5.000000000e-01, v4  }
0x15a: {  	v7 =	vmul.f32 $5.000000000e-01, v7;
	v9 =	vld [tilespmem:s6+$0x3220]  }
0x15b: {  	v3 =	vadd.f32 v6, v3;
	[tilespmem:s28+$0x136E0] =	vst v4;
	v4 =	vld [tilespmem:s28+$0x36F0]  }
0x15c: {  	[tilespmem:s4+$0x13220] =	vst v7;
	v6 =	vadd.f32 v10, v11;
	v7 =	vld [tilespmem:s29+$0x3670];
	s29 =	smov.u32 s31;
	s31 =	smov.u32 s6  }
0x15d: {  	v10 =	vld [tilespmem:s4+$0x7240];
	v3 =	vmul.f32 $5.000000000e-01, v3  }
0x15e: {  	v6 =	vmul.f32 $5.000000000e-01, v6;
	v11 =	vld [tilespmem:s4+$0x3250]  }
0x15f: {  	v5 =	vadd.f32 v9, v5;
	[tilespmem:s30+$0x13680] =	vst v3;
	v3 =	vld [tilespmem:s30+$0x3690]  }
0x160: {  	[tilespmem:s4+$0x13230] =	vst v6;
	v6 =	vld [tilespmem:s29+$0x3610]  }
0x161: {  	v9 =	vld [tilespmem:s4+$0x7250];
	v5 =	vmul.f32 $5.000000000e-01, v5;
	v4 =	vadd.f32 v7, v4  }
0x162: {  	v7 =	vadd.f32 v10, v8;
	v8 =	vld [tilespmem:s4+$0x3260]  }
0x163: {  	[tilespmem:s4+$0x132A0] =	vst v5;
	v5 =	vld [tilespmem:s4+$0x32B0];
	v4 =	vmul.f32 $5.000000000e-01, v4  }
0x164: {  	v7 =	vmul.f32 $5.000000000e-01, v7;
	v10 =	vld [tilespmem:s31+$0x3230]  }
0x165: {  	v12 =	vld [tilespmem:s4+$0x7260];
	v3 =	vadd.f32 v6, v3;
	[tilespmem:s28+$0x136F0] =	vst v4;
	s28 =	smov.u32 s30;
	s30 =	smov.u32 s4  }
0x166: {  	[tilespmem:s30+$0x13240] =	vst v7;
	v4 =	vadd.f32 v9, v11;
	v6 =	vld [tilespmem:s30+$0x3270]  }
0x167: {  	v7 =	vld [tilespmem:s30+$0x7270];
	v3 =	vmul.f32 $5.000000000e-01, v3  }
0x168: {  	v4 =	vmul.f32 $5.000000000e-01, v4;
	v9 =	vld [tilespmem:s30+$0x3600]  }
0x169: {  	v5 =	vadd.f32 v10, v5;
	[tilespmem:s28+$0x13690] =	vst v3;
	v3 =	vld [tilespmem:s28+$0x36A0]  }
0x16a: {  	[tilespmem:s30+$0x13250] =	vst v4;
	v4 =	vadd.f32 v12, v8;
	v8 =	vld [tilespmem:s29+$0x3620]  }
0x16b: {  	v10 =	vld [tilespmem:s30+$0x7600];
	v5 =	vmul.f32 $5.000000000e-01, v5  }
0x16c: {  	v4 =	vmul.f32 $5.000000000e-01, v4;
	v6 =	vadd.f32 v7, v6;
	v7 =	vld [tilespmem:s30+$0x3610]  }
0x16d: {  	[tilespmem:s30+$0x132B0] =	vst v5;
	v5 =	vld [tilespmem:s30+$0x32C0]  }
0x16e: {  	[tilespmem:s30+$0x13260] =	vst v4;
	v4 =	vmul.f32 $5.000000000e-01, v6;
	v6 =	vld [tilespmem:s31+$0x3240]  }
0x16f: {  	v11 =	vld [tilespmem:s30+$0x7610];
	v3 =	vadd.f32 v8, v3  }
0x170: {  	[tilespmem:s30+$0x13270] =	vst v4;
	v4 =	vadd.f32 v10, v9;
	v8 =	vld [tilespmem:s30+$0x3620]  }
0x171: {  	v9 =	vld [tilespmem:s30+$0x7620];
	v3 =	vmul.f32 $5.000000000e-01, v3  }
0x172: {  	v4 =	vmul.f32 $5.000000000e-01, v4;
	v10 =	vld [tilespmem:s30+$0x3630]  }
0x173: {  	v5 =	vadd.f32 v6, v5;
	[tilespmem:s28+$0x136A0] =	vst v3;
	v3 =	vld [tilespmem:s28+$0x36B0]  }
0x174: {  	[tilespmem:s30+$0x13600] =	vst v4;
	v4 =	vadd.f32 v11, v7;
	v6 =	vld [tilespmem:s29+$0x3630]  }
0x175: {  	v7 =	vld [tilespmem:s30+$0x7630];
	v5 =	vmul.f32 $5.000000000e-01, v5  }
0x176: {  	v4 =	vmul.f32 $5.000000000e-01, v4;
	v8 =	vadd.f32 v9, v8;
	v9 =	vld [tilespmem:s30+$0x3640]  }
0x177: {  	[tilespmem:s30+$0x132C0] =	vst v5;
	v5 =	vld [tilespmem:s30+$0x32D0]  }
0x178: {  	[tilespmem:s30+$0x13610] =	vst v4;
	v4 =	vmul.f32 $5.000000000e-01, v8;
	v8 =	vld [tilespmem:s31+$0x3250]  }
0x179: {  	v11 =	vld [tilespmem:s30+$0x7640];
	v3 =	vadd.f32 v6, v3  }
0x17a: {  	[tilespmem:s30+$0x13620] =	vst v4;
	v4 =	vadd.f32 v7, v10;
	v6 =	vld [tilespmem:s30+$0x3650]  }
0x17b: {  	v10 =	vld [tilespmem:s30+$0x7650];
	v7 =	vmul.f32 $5.000000000e-01, v3  }
0x17c: {  	v4 =	vmul.f32 $5.000000000e-01, v4;
	v3 =	vld [tilespmem:s30+$0x3660]  }
.Ltmp0:
0x17d: {  	v12 =	vadd.f32 v8, v5;
	[tilespmem:s28+$0x136B0] =	vst v7;
	v7 =	vld [tilespmem:s28+$0x36C0];
	(pc) =	sbr.rel @p1 .LBB2_4-.Ltmp0, $4  }
0x17e: {  	[tilespmem:s30+$0x13630] =	vst v4;
	v4 =	vadd.f32 v11, v9;
	v8 =	vld [tilespmem:s29+$0x3640]  }
0x17f: {  	v5 =	vld [tilespmem:s30+$0x7660];
	v11 =	vmul.f32 $5.000000000e-01, v12  }
0x180: {  	v9 =	vmul.f32 $5.000000000e-01, v4;
	v6 =	vadd.f32 v10, v6;
	v4 =	vld [tilespmem:s30+$0x3670]  }
0x181: {  	s5 =	sadd.s32 $0x200, s5;
	s8 =	sadd.s32 $0x100, s8;
	[tilespmem:s30+$0x132D0] =	vst v11;
	v10 =	vld [tilespmem:s30+$0x32E0]  }
0x182: {  	v11 =	vld [tilespmem:s31+$0x3260];
	_ =	sdelay $0x4  }
0x183: {  	v10 =	vadd.f32 v11, v10;
	_ =	sdelay $0x1  }
0x184: {  	v10 =	vmul.f32 $5.000000000e-01, v10;
	_ =	sdelay $0x1  }
0x185: {  	v33 =	vld [tilespmem:s30+$0x32F0];
	[tilespmem:s30+$0x132E0] =	vst v10  }
0x186: {  	v34 =	vld [tilespmem:s31+$0x3270];
	_ =	sdelay $0x4  }
0x187: {  	v10 =	vadd.f32 v34, v33;
	_ =	sdelay $0x1  }
0x188: {  	v10 =	vmul.f32 $5.000000000e-01, v10;
	_ =	sdelay $0x1  }
0x189: {  	v35 =	vld [tilespmem:s30+$0x3680];
	[tilespmem:s30+$0x132F0] =	vst v10  }
0x18a: {  	v36 =	vld [tilespmem:s31+$0x3600];
	_ =	sdelay $0x4  }
0x18b: {  	v10 =	vadd.f32 v36, v35;
	_ =	sdelay $0x1  }
0x18c: {  	v10 =	vmul.f32 $5.000000000e-01, v10;
	_ =	sdelay $0x1  }
0x18d: {  	v37 =	vld [tilespmem:s30+$0x3690];
	[tilespmem:s30+$0x13680] =	vst v10  }
0x18e: {  	v38 =	vld [tilespmem:s31+$0x3610];
	_ =	sdelay $0x4  }
0x18f: {  	v10 =	vadd.f32 v38, v37;
	_ =	sdelay $0x1  }
0x190: {  	v10 =	vmul.f32 $5.000000000e-01, v10;
	_ =	sdelay $0x1  }
0x191: {  	v39 =	vld [tilespmem:s30+$0x36A0];
	[tilespmem:s30+$0x13690] =	vst v10  }
0x192: {  	v40 =	vld [tilespmem:s31+$0x3620];
	_ =	sdelay $0x4  }
0x193: {  	v10 =	vadd.f32 v40, v39;
	_ =	sdelay $0x1  }
0x194: {  	v10 =	vmul.f32 $5.000000000e-01, v10;
	_ =	sdelay $0x1  }
0x195: {  	v41 =	vld [tilespmem:s30+$0x36B0];
	[tilespmem:s30+$0x136A0] =	vst v10  }
0x196: {  	v42 =	vld [tilespmem:s31+$0x3630];
	_ =	sdelay $0x4  }
0x197: {  	v10 =	vadd.f32 v42, v41;
	_ =	sdelay $0x1  }
0x198: {  	v10 =	vmul.f32 $5.000000000e-01, v10;
	_ =	sdelay $0x1  }
0x199: {  	v43 =	vld [tilespmem:s30+$0x36C0];
	[tilespmem:s30+$0x136B0] =	vst v10  }
0x19a: {  	v44 =	vld [tilespmem:s31+$0x3640];
	_ =	sdelay $0x3  }
0x19b: {  	v7 =	vadd.f32 v8, v7  }
0x19c: {  	v45 =	vadd.f32 v44, v43  }
0x19d: {  	v7 =	vmul.f32 $5.000000000e-01, v7  }
0x19e: {  	v47 =	vld [tilespmem:s28+$0x36D0];
	v46 =	vmul.f32 $5.000000000e-01, v45  }
0x19f: {  	v49 =	vld [tilespmem:s30+$0x36D0];
	[tilespmem:s28+$0x136C0] =	vst v7  }
0x1a0: {  	v48 =	vld [tilespmem:s29+$0x3650];
	[tilespmem:s30+$0x136C0] =	vst v46  }
0x1a1: {  	v50 =	vld [tilespmem:s31+$0x3650];
	_ =	sdelay $0x3  }
0x1a2: {  	v8 =	vadd.f32 v48, v47  }
0x1a3: {  	v7 =	vadd.f32 v50, v49  }
0x1a4: {  	v8 =	vmul.f32 $5.000000000e-01, v8  }
0x1a5: {  	v51 =	vld [tilespmem:s28+$0x36E0];
	v7 =	vmul.f32 $5.000000000e-01, v7  }
0x1a6: {  	v53 =	vld [tilespmem:s30+$0x36E0];
	[tilespmem:s28+$0x136D0] =	vst v8  }
0x1a7: {  	v52 =	vld [tilespmem:s29+$0x3660];
	[tilespmem:s30+$0x136D0] =	vst v7  }
0x1a8: {  	v54 =	vld [tilespmem:s31+$0x3660];
	_ =	sdelay $0x3  }
0x1a9: {  	v8 =	vadd.f32 v52, v51  }
0x1aa: {  	v7 =	vadd.f32 v54, v53  }
0x1ab: {  	v55 =	vld [tilespmem:s30+$0x7670];
	v8 =	vmul.f32 $5.000000000e-01, v8  }
0x1ac: {  	v56 =	vld [tilespmem:s28+$0x36F0];
	v7 =	vmul.f32 $5.000000000e-01, v7  }
0x1ad: {  	v58 =	vld [tilespmem:s30+$0x36F0];
	[tilespmem:s28+$0x136E0] =	vst v8  }
0x1ae: {  	v57 =	vld [tilespmem:s29+$0x3670];
	[tilespmem:s30+$0x136E0] =	vst v7  }
0x1af: {  	v59 =	vld [tilespmem:s31+$0x3670];
	_ =	sdelay $0x1  }
0x1b0: {  	v3 =	vadd.f32 v5, v3  }
0x1b1: {  	v60 =	vmul.f32 $5.000000000e-01, v6;
	v4 =	vadd.f32 v55, v4  }
0x1b2: {  	[tilespmem:s30+$0x13640] =	vst v9;
	v3 =	vmul.f32 $5.000000000e-01, v3;
	v61 =	vadd.f32 v57, v56  }
0x1b3: {  	s0 =	sadd.s32 s22, s0;
	[tilespmem:s30+$0x13650] =	vst v60;
	v4 =	vmul.f32 $5.000000000e-01, v4;
	v62 =	vadd.f32 v59, v58  }
0x1b4: {  	s0 =	sshll.u32 s0, $0x14;
	[tilespmem:s30+$0x13660] =	vst v3;
	v3 =	vmul.f32 $5.000000000e-01, v61  }
0x1b5: {  	s0 =	sadd.s32 s23, s0;
	[tilespmem:s30+$0x13670] =	vst v4;
	v63 =	vmul.f32 $5.000000000e-01, v62  }
0x1b6: {  	s0 =	sshrl.u32 s0, $0x3;
	[tilespmem:s28+$0x136F0] =	vst v3  }
0x1b7: {  	s0 =	sadd.s32 s2, s0;
	[tilespmem:s30+$0x136F0] =	vst v63  }
0x1b8: {  	[hbm4b:s0+s15] =	stream.strided.scatter [tilespmem:s17], [sflag:$0x3], $0x4000, s16, s15, $0x38;
	[tilespmem:$0x1B200] =	vst v63  }
0x1b9: {  	p1 =	seq.s32 s24, $0x18;
	_ =	swait.ge [sflag:s18], $0x4000  }
.Ltmp1:
0x1ba: {  	[sflag:s18] =	ssyncset.done $0x0;
	(pc) =	sbr.rel @p1 .LBB2_7-.Ltmp1, $4  }
0x1bb: {  	[sflag:s18] =	ssyncadd.s32 $0xFFFFC000  }
0x1bc: {  	_ =	swait.ge [sflag:s18], $0x4000  }
0x1bd: {  	[sflag:s18] =	ssyncset.done $0x0  }
0x1be: {  	[sflag:s18] =	ssyncadd.s32 $0xFFFFC000  }
0x1bf: {  	s0 =	sshll.u32 s24, $0x9  }
0x1c0: {  	s0 =	sand.u32 $0x3FFFFE00, s0  }
0x1c1: {  	v3 =	vld [tilespmem:s0+$0x200];
	_ =	sdelay $0x4  }
0x1c2: {  	v4 =	vshll.u32 v3, $0x3  }
0x1c3: {  	v3 =	vand.u32 $0x7, v3;
	v4 =	vand.u32 $0xFFFFFFC0, v4  }
0x1c4: {  	v3 =	vor.u32 v3, v4  }
0x1c5: {  	v4 =	vperm.xlane v3, v0;
	_ =	sdelay $0x1  }
0x1c6: {  	v3 =	vperm.xlane v3, v2;
	v4 =	vadd.s32 v1, v4;
	_ =	sdelay $0x1  }
0x1c7: {  	v3 =	vadd.s32 v1, v3;
	_ =	sdelay $0x1  }
0x1c8: {  	s1 =	simm.s32 $0x3200  }
0x1c9: {  	[tilespmem:s1], [sflag:$0x1] =	stream.indirect_vreg.gather [hbm4b:s7+s3], $0x80, v4, vm0, $0xb8;
	[tilespmem:$0x1B200] =	vst v63  }
0x1ca: {  	s8 =	simm.s32 $0x3A00  }
0x1cb: {  	[tilespmem:s8], [sflag:$0x1] =	stream.indirect_vreg.gather [hbm4b:s7+s3], $0x80, v3, vm0, $0xb8;
	[tilespmem:$0x1B200] =	vst v63  }
0x1cc: {  	v3 =	vld [tilespmem:s0+$0x210];
	_ =	sdelay $0x4  }
0x1cd: {  	v57 =	vshll.u32 v3, $0x3  }
0x1ce: {  	v3 =	vand.u32 $0x7, v3;
	v4 =	vand.u32 $0xFFFFFFC0, v57  }
0x1cf: {  	v3 =	vor.u32 v3, v4  }
0x1d0: {  	v4 =	vperm.xlane v3, v0;
	_ =	sdelay $0x1  }
0x1d1: {  	v3 =	vperm.xlane v3, v2;
	v4 =	vadd.s32 v1, v4;
	_ =	sdelay $0x1  }
0x1d2: {  	v3 =	vadd.s32 v1, v3;
	_ =	sdelay $0x1  }
0x1d3: {  	s9 =	simm.s32 $0x4200  }
0x1d4: {  	[tilespmem:s9], [sflag:$0x1] =	stream.indirect_vreg.gather [hbm4b:s7+s3], $0x80, v4, vm0, $0xb8;
	[tilespmem:$0x1B200] =	vst v63  }
0x1d5: {  	s28 =	simm.s32 $0x4A00  }
0x1d6: {  	[tilespmem:s28], [sflag:$0x1] =	stream.indirect_vreg.gather [hbm4b:s7+s3], $0x80, v3, vm0, $0xb8;
	[tilespmem:$0x1B200] =	vst v63  }
0x1d7: {  	v3 =	vld [tilespmem:s0+$0x220];
	_ =	sdelay $0x4  }
0x1d8: {  	v58 =	vshll.u32 v3, $0x3  }
0x1d9: {  	v3 =	vand.u32 $0x7, v3;
	v4 =	vand.u32 $0xFFFFFFC0, v58  }
0x1da: {  	v3 =	vor.u32 v3, v4  }
0x1db: {  	v4 =	vperm.xlane v3, v0;
	_ =	sdelay $0x1  }
0x1dc: {  	v3 =	vperm.xlane v3, v2;
	v4 =	vadd.s32 v1, v4;
	_ =	sdelay $0x1  }
0x1dd: {  	v3 =	vadd.s32 v1, v3;
	_ =	sdelay $0x1  }
0x1de: {  	s29 =	simm.s32 $0x5200  }
0x1df: {  	[tilespmem:s29], [sflag:$0x1] =	stream.indirect_vreg.gather [hbm4b:s7+s3], $0x80, v4, vm0, $0xb8;
	[tilespmem:$0x1B200] =	vst v63  }
0x1e0: {  	s30 =	simm.s32 $0x5A00  }
0x1e1: {  	[tilespmem:s30], [sflag:$0x1] =	stream.indirect_vreg.gather [hbm4b:s7+s3], $0x80, v3, vm0, $0xb8;
	[tilespmem:$0x1B200] =	vst v63  }
0x1e2: {  	v3 =	vld [tilespmem:s0+$0x230];
	_ =	sdelay $0x4  }
0x1e3: {  	v59 =	vshll.u32 v3, $0x3  }
0x1e4: {  	v3 =	vand.u32 $0x7, v3;
	v4 =	vand.u32 $0xFFFFFFC0, v59  }
0x1e5: {  	v3 =	vor.u32 v3, v4  }
0x1e6: {  	v4 =	vperm.xlane v3, v0;
	_ =	sdelay $0x1  }
0x1e7: {  	v3 =	vperm.xlane v3, v2;
	v4 =	vadd.s32 v1, v4;
	_ =	sdelay $0x1  }
0x1e8: {  	v3 =	vadd.s32 v1, v3;
	_ =	sdelay $0x1  }
0x1e9: {  	s31 =	simm.s32 $0x6200  }
0x1ea: {  	[tilespmem:s31], [sflag:$0x1] =	stream.indirect_vreg.gather [hbm4b:s7+s3], $0x80, v4, vm0, $0xb8;
	[tilespmem:$0x1B200] =	vst v63  }
0x1eb: {  	s4 =	simm.s32 $0x6A00  }
0x1ec: {  	[tilespmem:s4], [sflag:$0x1] =	stream.indirect_vreg.gather [hbm4b:s7+s3], $0x80, v3, vm0, $0xb8;
	[tilespmem:$0x1B200] =	vst v63  }
0x1ed: {  	v3 =	vld [tilespmem:s0+$0x280];
	_ =	sdelay $0x4  }
0x1ee: {  	v60 =	vshll.u32 v3, $0x3  }
0x1ef: {  	v3 =	vand.u32 $0x7, v3;
	v4 =	vand.u32 $0xFFFFFFC0, v60  }
0x1f0: {  	v3 =	vor.u32 v3, v4  }
0x1f1: {  	v4 =	vperm.xlane v3, v0;
	_ =	sdelay $0x1  }
0x1f2: {  	v3 =	vperm.xlane v3, v2;
	v4 =	vadd.s32 v1, v4;
	_ =	sdelay $0x1  }
0x1f3: {  	v3 =	vadd.s32 v1, v3;
	_ =	sdelay $0x1  }
0x1f4: {  	s5 =	simm.s32 $0x7200  }
0x1f5: {  	[tilespmem:s5], [sflag:$0x1] =	stream.indirect_vreg.gather [hbm4b:s7+s3], $0x80, v4, vm0, $0xb8;
	[tilespmem:$0x1B200] =	vst v63  }
0x1f6: {  	s6 =	simm.s32 $0x7A00  }
0x1f7: {  	[tilespmem:s6], [sflag:$0x1] =	stream.indirect_vreg.gather [hbm4b:s7+s3], $0x80, v3, vm0, $0xb8;
	[tilespmem:$0x1B200] =	vst v63  }
0x1f8: {  	v3 =	vld [tilespmem:s0+$0x290];
	_ =	sdelay $0x4  }
0x1f9: {  	v61 =	vshll.u32 v3, $0x3  }
0x1fa: {  	v3 =	vand.u32 $0x7, v3;
	v4 =	vand.u32 $0xFFFFFFC0, v61  }
0x1fb: {  	v3 =	vor.u32 v3, v4  }
0x1fc: {  	v4 =	vperm.xlane v3, v0;
	_ =	sdelay $0x1  }
0x1fd: {  	v3 =	vperm.xlane v3, v2;
	v4 =	vadd.s32 v1, v4;
	_ =	sdelay $0x1  }
0x1fe: {  	v3 =	vadd.s32 v1, v3;
	_ =	sdelay $0x1  }
0x1ff: {  	s8 =	simm.s32 $0x8200  }
0x200: {  	[tilespmem:s8], [sflag:$0x1] =	stream.indirect_vreg.gather [hbm4b:s7+s3], $0x80, v4, vm0, $0xb8;
	[tilespmem:$0x1B200] =	vst v63  }
0x201: {  	s9 =	simm.s32 $0x8A00  }
0x202: {  	[tilespmem:s9], [sflag:$0x1] =	stream.indirect_vreg.gather [hbm4b:s7+s3], $0x80, v3, vm0, $0xb8;
	[tilespmem:$0x1B200] =	vst v63  }
0x203: {  	v3 =	vld [tilespmem:s0+$0x2A0];
	_ =	sdelay $0x4  }
0x204: {  	v62 =	vshll.u32 v3, $0x3  }
0x205: {  	v3 =	vand.u32 $0x7, v3;
	v4 =	vand.u32 $0xFFFFFFC0, v62  }
0x206: {  	v3 =	vor.u32 v3, v4  }
0x207: {  	v4 =	vperm.xlane v3, v0;
	_ =	sdelay $0x1  }
0x208: {  	v3 =	vperm.xlane v3, v2;
	v4 =	vadd.s32 v1, v4;
	_ =	sdelay $0x1  }
0x209: {  	v3 =	vadd.s32 v1, v3;
	_ =	sdelay $0x1  }
0x20a: {  	s28 =	simm.s32 $0x9200  }
0x20b: {  	[tilespmem:s28], [sflag:$0x1] =	stream.indirect_vreg.gather [hbm4b:s7+s3], $0x80, v4, vm0, $0xb8;
	[tilespmem:$0x1B200] =	vst v63  }
0x20c: {  	s29 =	simm.s32 $0x9A00  }
0x20d: {  	[tilespmem:s29], [sflag:$0x1] =	stream.indirect_vreg.gather [hbm4b:s7+s3], $0x80, v3, vm0, $0xb8;
	[tilespmem:$0x1B200] =	vst v63  }
0x20e: {  	v3 =	vld [tilespmem:s0+$0x2B0];
	_ =	sdelay $0x4  }
0x20f: {  	v63 =	vshll.u32 v3, $0x3  }
0x210: {  	v3 =	vand.u32 $0x7, v3;
	v4 =	vand.u32 $0xFFFFFFC0, v63  }
0x211: {  	v3 =	vor.u32 v3, v4  }
0x212: {  	v4 =	vperm.xlane v3, v0;
	_ =	sdelay $0x1  }
0x213: {  	v3 =	vperm.xlane v3, v2;
	v4 =	vadd.s32 v1, v4;
	_ =	sdelay $0x1  }
0x214: {  	v3 =	vadd.s32 v1, v3;
	_ =	sdelay $0x1  }
0x215: {  	s30 =	simm.s32 $0xA200  }
0x216: {  	[tilespmem:s30], [sflag:$0x1] =	stream.indirect_vreg.gather [hbm4b:s7+s3], $0x80, v4, vm0, $0xb8;
	[tilespmem:$0x1B200] =	vst v63  }
0x217: {  	s31 =	simm.s32 $0xAA00  }
0x218: {  	[tilespmem:s31], [sflag:$0x1] =	stream.indirect_vreg.gather [hbm4b:s7+s3], $0x80, v3, vm0, $0xb8;
	[tilespmem:$0x1B200] =	vst v63  }
.LBB2_7:
0x219: {  	s0 =	simm.s32 @!p0 $0x4;
	s1 =	simm.s32 $0x0;
	s4 =	simm.s32 $0x4100  }
0x21a: {  	s5 =	simm.s32 $0x2080;
	_ =	swait.ge @!p0 [sflag:s0], $0x4000;
	s6 =	sand.u32 $0x3800, s1  }
0x21b: {  	s1 =	sand.u32 $0x300, s1;
	s8 =	sand.u32 $0x7800, s4;
	[sflag:s0] =	ssyncset.done @!p0 $0x0  }
0x21c: {  	s9 =	sand.u32 $0x380, s5;
	s28 =	sor.u32 s1, s6;
	[sflag:s0] =	ssyncadd.s32 @!p0 $0xFFFFC000  }
0x21d: {  	s29 =	sor.u32 s9, s8;
	v3 =	vld [tilespmem:s28+$0xB280]  }
0x21e: {  	v4 =	vld [tilespmem:s29+$0xB200];
	_ =	sdelay $0x4  }
0x21f: {  	v3 =	vadd.f32 v4, v3;
	_ =	sdelay $0x1  }
0x220: {  	v3 =	vmul.f32 $5.000000000e-01, v3;
	_ =	sdelay $0x1  }
0x221: {  	[tilespmem:s28+$0x17280] =	vst v3;
	v3 =	vld [tilespmem:s28+$0xB290]  }
0x222: {  	v4 =	vld [tilespmem:s29+$0xB210];
	_ =	sdelay $0x4  }
0x223: {  	v3 =	vadd.f32 v4, v3;
	_ =	sdelay $0x1  }
0x224: {  	v5 =	vld [tilespmem:s28+$0xF200];
	v3 =	vmul.f32 $5.000000000e-01, v3  }
0x225: {  	v4 =	vld [tilespmem:s28+$0xB200]  }
0x226: {  	[tilespmem:s28+$0x17290] =	vst v3;
	v3 =	vld [tilespmem:s28+$0xB2A0]  }
0x227: {  	v6 =	vld [tilespmem:s29+$0xB220];
	_ =	sdelay $0x3  }
0x228: {  	v4 =	vadd.f32 v5, v4;
	v5 =	vld [tilespmem:s28+$0xB210]  }
0x229: {  	v3 =	vadd.f32 v6, v3;
	v6 =	vld [tilespmem:s28+$0xF210]  }
0x22a: {  	v4 =	vmul.f32 $5.000000000e-01, v4  }
0x22b: {  	v7 =	vld [tilespmem:s28+$0xB220];
	v3 =	vmul.f32 $5.000000000e-01, v3  }
0x22c: {  	[tilespmem:s28+$0x17200] =	vst v4;
	v4 =	vld [tilespmem:s28+$0xF220]  }
0x22d: {  	[tilespmem:s28+$0x172A0] =	vst v3;
	v3 =	vld [tilespmem:s28+$0xB2B0]  }
0x22e: {  	v5 =	vadd.f32 v6, v5;
	v6 =	vld [tilespmem:s29+$0xB230];
	_ =	sdelay $0x1  }
0x22f: {  	v5 =	vmul.f32 $5.000000000e-01, v5  }
0x230: {  	v8 =	vld [tilespmem:s28+$0xB230];
	v4 =	vadd.f32 v4, v7  }
0x231: {  	[tilespmem:s28+$0x17210] =	vst v5;
	v5 =	vld [tilespmem:s28+$0xF230]  }
0x232: {  	v4 =	vmul.f32 $5.000000000e-01, v4;
	v3 =	vadd.f32 v6, v3;
	_ =	sdelay $0x1  }
0x233: {  	[tilespmem:s28+$0x17220] =	vst v4;
	v4 =	vld [tilespmem:s28+$0xF240];
	v3 =	vmul.f32 $5.000000000e-01, v3  }
0x234: {  	v6 =	vld [tilespmem:s28+$0xB240]  }
0x235: {  	[tilespmem:s28+$0x172B0] =	vst v3;
	v3 =	vadd.f32 v5, v8;
	v5 =	vld [tilespmem:s28+$0xB2C0]  }
0x236: {  	v7 =	vld [tilespmem:s29+$0xB240]  }
0x237: {  	v3 =	vmul.f32 $5.000000000e-01, v3;
	_ =	sdelay $0x1  }
0x238: {  	v8 =	vld [tilespmem:s28+$0xB250];
	[tilespmem:s28+$0x17230] =	vst v3;
	v3 =	vadd.f32 v4, v6  }
0x239: {  	v4 =	vld [tilespmem:s28+$0xF250]  }
0x23a: {  	v9 =	vld [tilespmem:s28+$0xF270];
	v3 =	vmul.f32 $5.000000000e-01, v3;
	v5 =	vadd.f32 v7, v5  }
0x23b: {  	v10 =	vld [tilespmem:s28+$0xB600]  }
0x23c: {  	v48 =	vld [tilespmem:s28+$0xF640];
	[tilespmem:s28+$0x17240] =	vst v3;
	v3 =	vmul.f32 $5.000000000e-01, v5  }
0x23d: {  	v15 =	vld [tilespmem:s28+$0xF650]  }
0x23e: {  	s4 =	simm.s32 $0x100;
	s5 =	simm.s32 $0x4300;
	s1 =	simm.s32 $0x200;
	[tilespmem:s28+$0x172C0] =	vst v3;
	v3 =	vadd.f32 v4, v8;
	v4 =	vld [tilespmem:s28+$0xB2D0]  }
0x23f: {  	s6 =	simm.s32 $0x2180;
	s0 =	sand.u32 $0x3800, s1;
	s1 =	sand.u32 $0x300, s4;
	v8 =	vld [tilespmem:s29+$0xB250]  }
0x240: {  	s8 =	sand.u32 $0x7800, s5;
	s9 =	sand.u32 $0x380, s6;
	s30 =	sor.u32 s1, s0;
	v51 =	vld [tilespmem:s28+$0xF660]  }
0x241: {  	s31 =	sor.u32 s9, s8;
	v11 =	vld [tilespmem:s30+$0xB280]  }
0x242: {  	v12 =	vld [tilespmem:s31+$0xB200]  }
0x243: {  	v6 =	vld [tilespmem:s28+$0xB260];
	v3 =	vmul.f32 $5.000000000e-01, v3  }
0x244: {  	v7 =	vld [tilespmem:s28+$0xF260];
	v4 =	vadd.f32 v8, v4  }
0x245: {  	[tilespmem:s28+$0x17250] =	vst v3;
	v3 =	vld [tilespmem:s28+$0xF600]  }
0x246: {  	v13 =	vld [tilespmem:s30+$0xB200];
	v4 =	vmul.f32 $5.000000000e-01, v4  }
0x247: {  	v5 =	vld [tilespmem:s28+$0xB270]  }
0x248: {  	[tilespmem:s28+$0x172D0] =	vst v4;
	v4 =	vld [tilespmem:s28+$0xB2E0]  }
0x249: {  	v6 =	vadd.f32 v7, v6;
	v8 =	vld [tilespmem:s29+$0xB260]  }
0x24a: {  	v14 =	vld [tilespmem:s30+$0xF200];
	v3 =	vadd.f32 v3, v10  }
0x24b: {  	v46 =	vld [tilespmem:s30+$0xB210];
	v6 =	vmul.f32 $5.000000000e-01, v6  }
0x24c: {  	v47 =	vld [tilespmem:s30+$0xB290];
	v5 =	vadd.f32 v9, v5;
	v3 =	vmul.f32 $5.000000000e-01, v3  }
0x24d: {  	v7 =	vld [tilespmem:s28+$0xB610];
	[tilespmem:s28+$0x17260] =	vst v6  }
0x24e: {  	v5 =	vmul.f32 $5.000000000e-01, v5;
	v6 =	vld [tilespmem:s28+$0xF610];
	[tilespmem:s28+$0x17600] =	vst v3;
	v3 =	vadd.f32 v8, v4  }
0x24f: {  	v9 =	vld [tilespmem:s28+$0xF620]  }
0x250: {  	[tilespmem:s28+$0x17270] =	vst v5;
	v5 =	vld [tilespmem:s28+$0xB620];
	v3 =	vmul.f32 $5.000000000e-01, v3  }
0x251: {  	v49 =	vld [tilespmem:s30+$0xB230]  }
0x252: {  	v11 =	vadd.f32 v12, v11;
	[tilespmem:s28+$0x172E0] =	vst v3;
	v3 =	vld [tilespmem:s28+$0xB2F0]  }
0x253: {  	v6 =	vadd.f32 v6, v7;
	v7 =	vld [tilespmem:s29+$0xB270]  }
0x254: {  	v52 =	vld [tilespmem:s30+$0xB250];
	v11 =	vmul.f32 $5.000000000e-01, v11  }
0x255: {  	v6 =	vmul.f32 $5.000000000e-01, v6;
	v5 =	vadd.f32 v9, v5;
	v9 =	vld [tilespmem:s30+$0xF210]  }
0x256: {  	v17 =	vld [tilespmem:s30+$0xF260];
	[tilespmem:s30+$0x17280] =	vst v11;
	v11 =	vadd.f32 v14, v13  }
0x257: {  	[tilespmem:s28+$0x17610] =	vst v6;
	v6 =	vld [tilespmem:s31+$0xB210]  }
0x258: {  	v11 =	vmul.f32 $5.000000000e-01, v11;
	v10 =	vld [tilespmem:s28+$0xB630];
	v3 =	vadd.f32 v7, v3  }
0x259: {  	v5 =	vmul.f32 $5.000000000e-01, v5;
	v4 =	vld [tilespmem:s28+$0xF630]  }
0x25a: {  	[tilespmem:s30+$0x17200] =	vst v11;
	v11 =	vld [tilespmem:s30+$0xF220];
	v9 =	vadd.f32 v9, v46;
	v3 =	vmul.f32 $5.000000000e-01, v3  }
0x25b: {  	[tilespmem:s28+$0x17620] =	vst v5;
	v5 =	vld [tilespmem:s30+$0xB220]  }
0x25c: {  	v6 =	vadd.f32 v6, v47;
	[tilespmem:s28+$0x172F0] =	vst v3;
	v3 =	vmul.f32 $5.000000000e-01, v9;
	v9 =	vld [tilespmem:s28+$0xB680]  }
0x25d: {  	v50 =	vld [tilespmem:s29+$0xB600]  }
0x25e: {  	v6 =	vmul.f32 $5.000000000e-01, v6;
	[tilespmem:s30+$0x17210] =	vst v3;
	v3 =	vadd.f32 v4, v10;
	v4 =	vld [tilespmem:s30+$0xF230]  }
0x25f: {  	v53 =	vld [tilespmem:s30+$0xF270]  }
0x260: {  	v5 =	vadd.f32 v11, v5;
	[tilespmem:s30+$0x17290] =	vst v6;
	v6 =	vld [tilespmem:s30+$0xB2A0]  }
0x261: {  	v10 =	vld [tilespmem:s31+$0xB220];
	v3 =	vmul.f32 $5.000000000e-01, v3  }
0x262: {  	v54 =	vld [tilespmem:s30+$0xB600];
	v5 =	vmul.f32 $5.000000000e-01, v5;
	v9 =	vadd.f32 v50, v9  }
0x263: {  	[tilespmem:s28+$0x17630] =	vst v3;
	v3 =	vld [tilespmem:s30+$0xB240];
	v4 =	vadd.f32 v4, v49  }
0x264: {  	[tilespmem:s30+$0x17220] =	vst v5;
	v5 =	vmul.f32 $5.000000000e-01, v9;
	v9 =	vld [tilespmem:s30+$0xF240]  }
0x265: {  	v55 =	vld [tilespmem:s30+$0xF600];
	v4 =	vmul.f32 $5.000000000e-01, v4  }
0x266: {  	v6 =	vadd.f32 v10, v6;
	[tilespmem:s28+$0x17680] =	vst v5;
	v5 =	vld [tilespmem:s28+$0xB690]  }
0x267: {  	[tilespmem:s30+$0x17230] =	vst v4;
	v4 =	vld [tilespmem:s29+$0xB610]  }
0x268: {  	v10 =	vld [tilespmem:s30+$0xF250];
	v6 =	vmul.f32 $5.000000000e-01, v6  }
0x269: {  	v56 =	vld [tilespmem:s30+$0xB610];
	v3 =	vadd.f32 v9, v3  }
0x26a: {  	[tilespmem:s30+$0x172A0] =	vst v6;
	v6 =	vld [tilespmem:s30+$0xB2B0]  }
0x26b: {  	v16 =	vld [tilespmem:s31+$0xB230];
	v3 =	vmul.f32 $5.000000000e-01, v3  }
0x26c: {  	v9 =	vld [tilespmem:s30+$0xB260];
	v4 =	vadd.f32 v4, v5  }
0x26d: {  	v8 =	vld [tilespmem:s28+$0xB640];
	[tilespmem:s30+$0x17240] =	vst v3;
	v3 =	vadd.f32 v10, v52  }
0x26e: {  	v10 =	vld [tilespmem:s30+$0xB270];
	v4 =	vmul.f32 $5.000000000e-01, v4  }
0x26f: {  	v57 =	vld [tilespmem:s30+$0xB620];
	v3 =	vmul.f32 $5.000000000e-01, v3  }
0x270: {  	v58 =	vld [tilespmem:s30+$0xF620];
	v6 =	vadd.f32 v16, v6;
	[tilespmem:s28+$0x17690] =	vst v4  }
0x271: {  	v4 =	vld [tilespmem:s28+$0xB6A0];
	[tilespmem:s30+$0x17250] =	vst v3;
	v3 =	vadd.f32 v17, v9  }
0x272: {  	v8 =	vadd.f32 v48, v8;
	v6 =	vmul.f32 $5.000000000e-01, v6;
	v9 =	vld [tilespmem:s29+$0xB620]  }
0x273: {  	v59 =	vld [tilespmem:s30+$0xF630];
	v10 =	vadd.f32 v53, v10;
	v3 =	vmul.f32 $5.000000000e-01, v3  }
0x274: {  	[tilespmem:s30+$0x172B0] =	vst v6;
	v6 =	vmul.f32 $5.000000000e-01, v8;
	v8 =	vld [tilespmem:s30+$0xB2C0]  }
0x275: {  	[tilespmem:s30+$0x17260] =	vst v3;
	v3 =	vmul.f32 $5.000000000e-01, v10;
	v10 =	vld [tilespmem:s31+$0xB240]  }
0x276: {  	v60 =	vld [tilespmem:s30+$0xB640]  }
0x277: {  	[tilespmem:s28+$0x17640] =	vst v6;
	v6 =	vld [tilespmem:s30+$0xF610];
	v4 =	vadd.f32 v9, v4  }
0x278: {  	v11 =	vld [tilespmem:s28+$0xB660];
	[tilespmem:s30+$0x17270] =	vst v3;
	v3 =	vadd.f32 v55, v54  }
0x279: {  	v7 =	vld [tilespmem:s28+$0xB650];
	v4 =	vmul.f32 $5.000000000e-01, v4  }
0x27a: {  	v5 =	vld [tilespmem:s28+$0xB670];
	v3 =	vmul.f32 $5.000000000e-01, v3;
	v8 =	vadd.f32 v10, v8  }
0x27b: {  	[tilespmem:s28+$0x176A0] =	vst v4;
	v4 =	vld [tilespmem:s28+$0xB6B0]  }
0x27c: {  	[tilespmem:s30+$0x17600] =	vst v3;
	v3 =	vadd.f32 v6, v56;
	v6 =	vld [tilespmem:s29+$0xB630];
	v8 =	vmul.f32 $5.000000000e-01, v8  }
0x27d: {  	v10 =	vld [tilespmem:s30+$0xB630]  }
0x27e: {  	v14 =	vadd.f32 v58, v57;
	v3 =	vmul.f32 $5.000000000e-01, v3;
	[tilespmem:s30+$0x172C0] =	vst v8;
	v8 =	vld [tilespmem:s30+$0xB2D0]  }
0x27f: {  	v61 =	vld [tilespmem:s31+$0xB250]  }
0x280: {  	v7 =	vadd.f32 v15, v7;
	v9 =	vld [tilespmem:s28+$0xF670];
	[tilespmem:s30+$0x17610] =	vst v3;
	v3 =	vmul.f32 $5.000000000e-01, v14  }
0x281: {  	v4 =	vadd.f32 v6, v4;
	v6 =	vld [tilespmem:s30+$0xF640]  }
0x282: {  	v62 =	vld [tilespmem:s30+$0xF650];
	v7 =	vmul.f32 $5.000000000e-01, v7;
	[tilespmem:s30+$0x17620] =	vst v3;
	v3 =	vadd.f32 v59, v10  }
0x283: {  	v11 =	vadd.f32 v51, v11;
	v10 =	vld [tilespmem:s30+$0xB650];
	v4 =	vmul.f32 $5.000000000e-01, v4  }
0x284: {  	[tilespmem:s28+$0x17650] =	vst v7;
	v7 =	vld [tilespmem:s28+$0xB6C0];
	v63 =	vmul.f32 $5.000000000e-01, v3;
	v8 =	vadd.f32 v61, v8  }
0x285: {  	v5 =	vadd.f32 v9, v5;
	v3 =	vld [tilespmem:s30+$0xB660];
	[tilespmem:s28+$0x176B0] =	vst v4;
	v4 =	vmul.f32 $5.000000000e-01, v11  }
0x286: {  	[tilespmem:s30+$0x17630] =	vst v63;
	v9 =	vld [tilespmem:s29+$0xB640];
	v6 =	vadd.f32 v6, v60;
	v8 =	vmul.f32 $5.000000000e-01, v8  }
0x287: {  	v11 =	vmul.f32 $5.000000000e-01, v5;
	v5 =	vld [tilespmem:s30+$0xF660];
	[tilespmem:s28+$0x17660] =	vst v4  }
0x288: {  	v4 =	vld [tilespmem:s30+$0xB670];
	[tilespmem:s30+$0x172D0] =	vst v8;
	v8 =	vmul.f32 $5.000000000e-01, v6;
	v6 =	vadd.f32 v62, v10  }
0x289: {  	s5 =	simm.s32 $0x400;
	s0 =	simm.s32 $0x2;
	s1 =	simm.s32 $0x200;
	[tilespmem:s28+$0x17670] =	vst v11;
	v10 =	vld [tilespmem:s30+$0xB2E0]  }
.LBB2_8:
0x28a: {  	s4 =	sand.u32 $0x3800, s5;
	s6 =	sand.u32 $0x300, s1;
	s8 =	sadd.s32 $0x4100, s5;
	[tilespmem:s30+$0x17640] =	vst v8;
	v6 =	vmul.f32 $5.000000000e-01, v6;
	v8 =	vld [tilespmem:s31+$0xB260]  }
0x28b: {  	s0 =	sadd.s32 $0x2, s0;
	s4 =	sor.u32 s6, s4;
	s6 =	sadd.s32 $0x2080, s1;
	v11 =	vld [tilespmem:s30+$0xF670];
	v7 =	vadd.f32 v9, v7  }
0x28c: {  	s8 =	sand.u32 $0x7800, s8;
	p0 =	slt.u32 s0, $0x3E;
	v9 =	vld [tilespmem:s4+$0xB200];
	s6 =	sand.u32 $0x380, s6;
	[tilespmem:s30+$0x17650] =	vst v6;
	v3 =	vadd.f32 v5, v3  }
0x28d: {  	v5 =	vld [tilespmem:s4+$0xB280];
	s6 =	sor.u32 s6, s8;
	v6 =	vmul.f32 $5.000000000e-01, v7  }
0x28e: {  	v7 =	vld [tilespmem:s6+$0xB200];
	v3 =	vmul.f32 $5.000000000e-01, v3  }
0x28f: {  	v8 =	vadd.f32 v8, v10;
	[tilespmem:s28+$0x176C0] =	vst v6;
	v6 =	vld [tilespmem:s28+$0xB6D0]  }
0x290: {  	[tilespmem:s30+$0x17660] =	vst v3;
	v3 =	vadd.f32 v11, v4;
	v4 =	vld [tilespmem:s29+$0xB650]  }
0x291: {  	v10 =	vld [tilespmem:s4+$0xF200];
	v8 =	vmul.f32 $5.000000000e-01, v8  }
0x292: {  	v11 =	vld [tilespmem:s4+$0xB210];
	v3 =	vmul.f32 $5.000000000e-01, v3  }
0x293: {  	v5 =	vadd.f32 v7, v5;
	[tilespmem:s30+$0x172E0] =	vst v8;
	v7 =	vld [tilespmem:s30+$0xB2F0]  }
0x294: {  	[tilespmem:s30+$0x17670] =	vst v3;
	v3 =	vld [tilespmem:s31+$0xB270]  }
0x295: {  	v8 =	vld [tilespmem:s4+$0xF210];
	v5 =	vmul.f32 $5.000000000e-01, v5;
	v4 =	vadd.f32 v4, v6  }
0x296: {  	v6 =	vadd.f32 v10, v9;
	v9 =	vld [tilespmem:s4+$0xB220]  }
0x297: {  	[tilespmem:s4+$0x17280] =	vst v5;
	v5 =	vld [tilespmem:s4+$0xB290];
	v4 =	vmul.f32 $5.000000000e-01, v4  }
0x298: {  	v6 =	vmul.f32 $5.000000000e-01, v6;
	v10 =	vld [tilespmem:s6+$0xB210]  }
0x299: {  	v3 =	vadd.f32 v3, v7;
	[tilespmem:s28+$0x176D0] =	vst v4;
	v4 =	vld [tilespmem:s28+$0xB6E0]  }
0x29a: {  	[tilespmem:s4+$0x17200] =	vst v6;
	v6 =	vadd.f32 v8, v11;
	v7 =	vld [tilespmem:s29+$0xB660]  }
0x29b: {  	v8 =	vld [tilespmem:s4+$0xF220];
	v3 =	vmul.f32 $5.000000000e-01, v3  }
0x29c: {  	v6 =	vmul.f32 $5.000000000e-01, v6;
	v11 =	vld [tilespmem:s4+$0xB230]  }
0x29d: {  	v5 =	vadd.f32 v10, v5;
	[tilespmem:s30+$0x172F0] =	vst v3;
	v3 =	vld [tilespmem:s30+$0xB680]  }
0x29e: {  	[tilespmem:s4+$0x17210] =	vst v6;
	v6 =	vld [tilespmem:s31+$0xB600]  }
0x29f: {  	v10 =	vld [tilespmem:s4+$0xF230];
	v5 =	vmul.f32 $5.000000000e-01, v5;
	v4 =	vadd.f32 v7, v4  }
0x2a0: {  	v7 =	vadd.f32 v8, v9;
	v8 =	vld [tilespmem:s4+$0xB240]  }
0x2a1: {  	[tilespmem:s4+$0x17290] =	vst v5;
	v5 =	vld [tilespmem:s4+$0xB2A0];
	v4 =	vmul.f32 $5.000000000e-01, v4  }
0x2a2: {  	v7 =	vmul.f32 $5.000000000e-01, v7;
	v9 =	vld [tilespmem:s6+$0xB220]  }
0x2a3: {  	v3 =	vadd.f32 v6, v3;
	[tilespmem:s28+$0x176E0] =	vst v4;
	v4 =	vld [tilespmem:s28+$0xB6F0]  }
0x2a4: {  	[tilespmem:s4+$0x17220] =	vst v7;
	v6 =	vadd.f32 v10, v11;
	v7 =	vld [tilespmem:s29+$0xB670];
	s29 =	smov.u32 s31;
	s31 =	smov.u32 s6  }
0x2a5: {  	v10 =	vld [tilespmem:s4+$0xF240];
	v3 =	vmul.f32 $5.000000000e-01, v3  }
0x2a6: {  	v6 =	vmul.f32 $5.000000000e-01, v6;
	v11 =	vld [tilespmem:s4+$0xB250]  }
0x2a7: {  	v5 =	vadd.f32 v9, v5;
	[tilespmem:s30+$0x17680] =	vst v3;
	v3 =	vld [tilespmem:s30+$0xB690]  }
0x2a8: {  	[tilespmem:s4+$0x17230] =	vst v6;
	v6 =	vld [tilespmem:s29+$0xB610]  }
0x2a9: {  	v9 =	vld [tilespmem:s4+$0xF250];
	v5 =	vmul.f32 $5.000000000e-01, v5;
	v4 =	vadd.f32 v7, v4  }
0x2aa: {  	v7 =	vadd.f32 v10, v8;
	v8 =	vld [tilespmem:s4+$0xB260]  }
0x2ab: {  	[tilespmem:s4+$0x172A0] =	vst v5;
	v5 =	vld [tilespmem:s4+$0xB2B0];
	v4 =	vmul.f32 $5.000000000e-01, v4  }
0x2ac: {  	v7 =	vmul.f32 $5.000000000e-01, v7;
	v10 =	vld [tilespmem:s31+$0xB230]  }
0x2ad: {  	v12 =	vld [tilespmem:s4+$0xF260];
	v3 =	vadd.f32 v6, v3;
	[tilespmem:s28+$0x176F0] =	vst v4;
	s28 =	smov.u32 s30;
	s30 =	smov.u32 s4  }
0x2ae: {  	[tilespmem:s30+$0x17240] =	vst v7;
	v4 =	vadd.f32 v9, v11;
	v6 =	vld [tilespmem:s30+$0xB270]  }
0x2af: {  	v7 =	vld [tilespmem:s30+$0xF270];
	v3 =	vmul.f32 $5.000000000e-01, v3  }
0x2b0: {  	v4 =	vmul.f32 $5.000000000e-01, v4;
	v9 =	vld [tilespmem:s30+$0xB600]  }
0x2b1: {  	v5 =	vadd.f32 v10, v5;
	[tilespmem:s28+$0x17690] =	vst v3;
	v3 =	vld [tilespmem:s28+$0xB6A0]  }
0x2b2: {  	[tilespmem:s30+$0x17250] =	vst v4;
	v4 =	vadd.f32 v12, v8;
	v8 =	vld [tilespmem:s29+$0xB620]  }
0x2b3: {  	v10 =	vld [tilespmem:s30+$0xF600];
	v5 =	vmul.f32 $5.000000000e-01, v5  }
0x2b4: {  	v4 =	vmul.f32 $5.000000000e-01, v4;
	v6 =	vadd.f32 v7, v6;
	v7 =	vld [tilespmem:s30+$0xB610]  }
0x2b5: {  	[tilespmem:s30+$0x172B0] =	vst v5;
	v5 =	vld [tilespmem:s30+$0xB2C0]  }
0x2b6: {  	[tilespmem:s30+$0x17260] =	vst v4;
	v4 =	vmul.f32 $5.000000000e-01, v6;
	v6 =	vld [tilespmem:s31+$0xB240]  }
0x2b7: {  	v11 =	vld [tilespmem:s30+$0xF610];
	v3 =	vadd.f32 v8, v3  }
0x2b8: {  	[tilespmem:s30+$0x17270] =	vst v4;
	v4 =	vadd.f32 v10, v9;
	v8 =	vld [tilespmem:s30+$0xB620]  }
0x2b9: {  	v9 =	vld [tilespmem:s30+$0xF620];
	v3 =	vmul.f32 $5.000000000e-01, v3  }
0x2ba: {  	v4 =	vmul.f32 $5.000000000e-01, v4;
	v10 =	vld [tilespmem:s30+$0xB630]  }
0x2bb: {  	v5 =	vadd.f32 v6, v5;
	[tilespmem:s28+$0x176A0] =	vst v3;
	v3 =	vld [tilespmem:s28+$0xB6B0]  }
0x2bc: {  	[tilespmem:s30+$0x17600] =	vst v4;
	v4 =	vadd.f32 v11, v7;
	v6 =	vld [tilespmem:s29+$0xB630]  }
0x2bd: {  	v7 =	vld [tilespmem:s30+$0xF630];
	v5 =	vmul.f32 $5.000000000e-01, v5  }
0x2be: {  	v4 =	vmul.f32 $5.000000000e-01, v4;
	v8 =	vadd.f32 v9, v8;
	v9 =	vld [tilespmem:s30+$0xB640]  }
0x2bf: {  	[tilespmem:s30+$0x172C0] =	vst v5;
	v5 =	vld [tilespmem:s30+$0xB2D0]  }
0x2c0: {  	[tilespmem:s30+$0x17610] =	vst v4;
	v4 =	vmul.f32 $5.000000000e-01, v8;
	v8 =	vld [tilespmem:s31+$0xB250]  }
0x2c1: {  	v11 =	vld [tilespmem:s30+$0xF640];
	v3 =	vadd.f32 v6, v3  }
0x2c2: {  	[tilespmem:s30+$0x17620] =	vst v4;
	v4 =	vadd.f32 v7, v10;
	v6 =	vld [tilespmem:s30+$0xB650]  }
0x2c3: {  	v10 =	vld [tilespmem:s30+$0xF650];
	v7 =	vmul.f32 $5.000000000e-01, v3  }
0x2c4: {  	v4 =	vmul.f32 $5.000000000e-01, v4;
	v3 =	vld [tilespmem:s30+$0xB660]  }
.Ltmp2:
0x2c5: {  	v8 =	vadd.f32 v8, v5;
	[tilespmem:s28+$0x176B0] =	vst v7;
	v7 =	vld [tilespmem:s28+$0xB6C0];
	(pc) =	sbr.rel @p0 .LBB2_8-.Ltmp2, $4  }
0x2c6: {  	[tilespmem:s30+$0x17630] =	vst v4;
	v4 =	vadd.f32 v11, v9;
	v9 =	vld [tilespmem:s29+$0xB640]  }
0x2c7: {  	v5 =	vld [tilespmem:s30+$0xF660];
	v11 =	vmul.f32 $5.000000000e-01, v8  }
0x2c8: {  	v8 =	vmul.f32 $5.000000000e-01, v4;
	v6 =	vadd.f32 v10, v6;
	v4 =	vld [tilespmem:s30+$0xB670]  }
0x2c9: {  	s5 =	sadd.s32 $0x200, s5;
	s1 =	sadd.s32 $0x100, s1;
	[tilespmem:s30+$0x172D0] =	vst v11;
	v10 =	vld [tilespmem:s30+$0xB2E0]  }
0x2ca: {  	v11 =	vld [tilespmem:s31+$0xB260];
	_ =	sdelay $0x4  }
0x2cb: {  	v10 =	vadd.f32 v11, v10;
	_ =	sdelay $0x1  }
0x2cc: {  	v10 =	vmul.f32 $5.000000000e-01, v10;
	_ =	sdelay $0x1  }
0x2cd: {  	v33 =	vld [tilespmem:s30+$0xB2F0];
	[tilespmem:s30+$0x172E0] =	vst v10  }
0x2ce: {  	v34 =	vld [tilespmem:s31+$0xB270];
	_ =	sdelay $0x4  }
0x2cf: {  	v10 =	vadd.f32 v34, v33;
	_ =	sdelay $0x1  }
0x2d0: {  	v10 =	vmul.f32 $5.000000000e-01, v10;
	_ =	sdelay $0x1  }
0x2d1: {  	v35 =	vld [tilespmem:s30+$0xB680];
	[tilespmem:s30+$0x172F0] =	vst v10  }
0x2d2: {  	v36 =	vld [tilespmem:s31+$0xB600];
	_ =	sdelay $0x4  }
0x2d3: {  	v10 =	vadd.f32 v36, v35;
	_ =	sdelay $0x1  }
0x2d4: {  	v10 =	vmul.f32 $5.000000000e-01, v10;
	_ =	sdelay $0x1  }
0x2d5: {  	v37 =	vld [tilespmem:s30+$0xB690];
	[tilespmem:s30+$0x17680] =	vst v10  }
0x2d6: {  	v38 =	vld [tilespmem:s31+$0xB610];
	_ =	sdelay $0x4  }
0x2d7: {  	v10 =	vadd.f32 v38, v37;
	_ =	sdelay $0x1  }
0x2d8: {  	v10 =	vmul.f32 $5.000000000e-01, v10;
	_ =	sdelay $0x1  }
0x2d9: {  	v39 =	vld [tilespmem:s30+$0xB6A0];
	[tilespmem:s30+$0x17690] =	vst v10  }
0x2da: {  	v40 =	vld [tilespmem:s31+$0xB620];
	_ =	sdelay $0x4  }
0x2db: {  	v10 =	vadd.f32 v40, v39;
	_ =	sdelay $0x1  }
0x2dc: {  	v10 =	vmul.f32 $5.000000000e-01, v10;
	_ =	sdelay $0x1  }
0x2dd: {  	v41 =	vld [tilespmem:s30+$0xB6B0];
	[tilespmem:s30+$0x176A0] =	vst v10  }
0x2de: {  	v42 =	vld [tilespmem:s31+$0xB630];
	_ =	sdelay $0x4  }
0x2df: {  	v10 =	vadd.f32 v42, v41;
	_ =	sdelay $0x1  }
0x2e0: {  	v10 =	vmul.f32 $5.000000000e-01, v10;
	_ =	sdelay $0x1  }
0x2e1: {  	v43 =	vld [tilespmem:s30+$0xB6C0];
	[tilespmem:s30+$0x176B0] =	vst v10  }
0x2e2: {  	v44 =	vld [tilespmem:s31+$0xB640];
	_ =	sdelay $0x3  }
0x2e3: {  	v7 =	vadd.f32 v9, v7  }
0x2e4: {  	v45 =	vadd.f32 v44, v43  }
0x2e5: {  	v7 =	vmul.f32 $5.000000000e-01, v7  }
0x2e6: {  	v47 =	vld [tilespmem:s28+$0xB6D0];
	v46 =	vmul.f32 $5.000000000e-01, v45  }
0x2e7: {  	v49 =	vld [tilespmem:s30+$0xB6D0];
	[tilespmem:s28+$0x176C0] =	vst v7  }
0x2e8: {  	v48 =	vld [tilespmem:s29+$0xB650];
	[tilespmem:s30+$0x176C0] =	vst v46  }
0x2e9: {  	v50 =	vld [tilespmem:s31+$0xB650];
	_ =	sdelay $0x3  }
0x2ea: {  	v9 =	vadd.f32 v48, v47  }
0x2eb: {  	v7 =	vadd.f32 v50, v49  }
0x2ec: {  	v9 =	vmul.f32 $5.000000000e-01, v9  }
0x2ed: {  	v51 =	vld [tilespmem:s28+$0xB6E0];
	v7 =	vmul.f32 $5.000000000e-01, v7  }
0x2ee: {  	v53 =	vld [tilespmem:s30+$0xB6E0];
	[tilespmem:s28+$0x176D0] =	vst v9  }
0x2ef: {  	v52 =	vld [tilespmem:s29+$0xB660];
	[tilespmem:s30+$0x176D0] =	vst v7  }
0x2f0: {  	v54 =	vld [tilespmem:s31+$0xB660];
	_ =	sdelay $0x3  }
0x2f1: {  	v9 =	vadd.f32 v52, v51  }
0x2f2: {  	v7 =	vadd.f32 v54, v53  }
0x2f3: {  	v55 =	vld [tilespmem:s30+$0xF670];
	v9 =	vmul.f32 $5.000000000e-01, v9  }
0x2f4: {  	v56 =	vld [tilespmem:s28+$0xB6F0];
	v7 =	vmul.f32 $5.000000000e-01, v7  }
0x2f5: {  	v58 =	vld [tilespmem:s30+$0xB6F0];
	[tilespmem:s28+$0x176E0] =	vst v9  }
0x2f6: {  	v57 =	vld [tilespmem:s29+$0xB670];
	[tilespmem:s30+$0x176E0] =	vst v7  }
0x2f7: {  	v59 =	vld [tilespmem:s31+$0xB670];
	_ =	sdelay $0x1  }
0x2f8: {  	v3 =	vadd.f32 v5, v3  }
0x2f9: {  	v60 =	vmul.f32 $5.000000000e-01, v6;
	v4 =	vadd.f32 v55, v4  }
0x2fa: {  	[tilespmem:s30+$0x17640] =	vst v8;
	s24 =	sadd.s32 $0x1, s24;
	v3 =	vmul.f32 $5.000000000e-01, v3;
	v61 =	vadd.f32 v57, v56  }
0x2fb: {  	s0 =	sadd.s32 s22, s25;
	p0 =	sne.s32 s24, $0x19;
	[tilespmem:s30+$0x17650] =	vst v60;
	v4 =	vmul.f32 $5.000000000e-01, v4;
	v62 =	vadd.f32 v59, v58  }
.Ltmp3:
0x2fc: {  	s0 =	sshll.u32 s0, $0x14;
	[tilespmem:s30+$0x17660] =	vst v3;
	v3 =	vmul.f32 $5.000000000e-01, v61;
	(pc) =	sbr.rel @p0 .LBB2_3-.Ltmp3, $4  }
0x2fd: {  	s0 =	sadd.s32 s23, s0;
	[tilespmem:s30+$0x17670] =	vst v4;
	v63 =	vmul.f32 $5.000000000e-01, v62  }
0x2fe: {  	s0 =	sshrl.u32 s0, $0x3;
	[tilespmem:s28+$0x176F0] =	vst v3  }
0x2ff: {  	s0 =	sadd.s32 s2, s0;
	[tilespmem:s30+$0x176F0] =	vst v63  }
0x300: {  	[hbm4b:s0+s15] =	stream.strided.scatter [tilespmem:s19], [sflag:$0x4], $0x4000, s16, s15, $0x38;
	[tilespmem:$0x1B200] =	vst v63  }
0x301: {  	s20 =	sadd.s32 $0x1, s20  }
0x302: {  	p0 =	sne.s32 s20, $0x4  }
.Ltmp4:
0x303: {  	_ = 	snop;
	(pc) =	sbr.rel @p0 .LBB2_2-.Ltmp4, $1  }
0x304: {  	_ =	sdelay $0x3  }
0x305: {  	s0 =	simm.s32 $0x3  }
0x306: {  	_ =	swait.ge [sflag:s0], $0x4000  }
0x307: {  	[sflag:s0] =	ssyncset.done $0x0  }
0x308: {  	s1 =	simm.s32 $0x4;
	[sflag:s0] =	ssyncadd.s32 $0xFFFFC000  }
0x309: {  	_ =	swait.ge [sflag:s1], $0x4000  }
0x30a: {  	s4 =	rddreg [dreg:$0x8]  }
0x30b: {  	s31 =	rddreg [dreg:$0x7];
	s4 =	sadd.s32 $0x1, s4  }
0x30c: {  	p0 =	sne.s32 s4, s31  }
.Ltmp5:
0x30d: {  	_ = 	snop;
	(pc) =	sbr.rel @p0 .LBB2_1-.Ltmp5, $3  }
0x30e: {  	_ =	sdelay $0x1  }
0x30f: {  	[sflag:s1] =	ssyncset.done $0x0  }
0x310: {  	[sflag:s1] =	ssyncadd.s32 $0xFFFFC000  }
0x311: {  	_ =	sfence.sel $0x180000  }
0x312: {  	[bflag:$0x0] =	sbarrier.arrive $0xFFFF  }
0x313: {  	_ =	strace $0x90000047  }
0x314: {  	s0 =	stileid.u32;
	[bflag:$0x2] =	sbarrier.arrive $0xFFFF  }
0x315: {  	p0 =	sne.s32 s0, $0x0;
	s0 =	rddreg [dreg:$0x3]  }
0x316: {  	s0 =	sadd.s32 @!p0 $0x100000, s0  }
0x317: {  	[sflag:s0] =	ssyncadd.tile.s32 @!p0 $0x1;
	_ =	shalt  }
.Lfunc_end2:
_tile_overlayer_lowered:
.L_overlay_start_2:
0x318: {  	(tag) =	ssettag $0x2  }
0x319: {  	s0 =	rddreg [dreg:$0x0];
	s2 =	stileid.u32  }
0x31a: {  	s1 =	rddreg [dreg:$0x1];
	p0 =	sne.s32 s2, $0x0  }
0x31b: {  	s3 =	rddreg [dreg:$0x2];
	[bflag:$0x3] =	sbarrier.arrive $0xFFFF;
	s2 =	simm.s32 @!p0 $0x1C05  }
0x31c: {  	[timem:s3], [sflag:s2] =	dma.local @!p0 [hbm:s0], s1  }
0x31d: {  	s0 =	simm.s32 @!p0 $0x5  }
0x31e: {  	_ =	swait.ge @!p0 [sflag:s0], s1  }
0x31f: {  	s1 =	ssub.s32 @!p0 $0x0, s1;
	[sflag:s0] =	ssyncset.done @!p0 $0x0  }
0x320: {  	[sflag:s0] =	ssyncadd.s32 @!p0 s1  }
0x321: {  	[bflag:$0x3] =	sbarrier.arrive $0xFFFF  }
0x322: {  	_ =	shalt  }

</sc_bundles>
